<compile_context>
chip_gen: v7x
topology: tpu7x:2x2x1
jax: 0.10.2.dev20260603
libtpu: 0.0.44.dev20260713+nightly
codegen_flags: <defaults>
</compile_context>

<pallas_src>
import functools

import jax
import jax.numpy as jnp
from jax import lax
from jax.experimental import pallas as pl
from jax.experimental.pallas import tpu as pltpu
from jax.experimental.pallas import tpu_sc as plsc

N = 10000
E = 320000
D = 128

NC = 2
NS = 16
NW = NC * NS
CH = 128
NCHUNK = 80
EPW = CH * NCHUNK
EP = EPW * NW

ACC_ROWS = 10240
ZROWS = 640
OROWS = 624
OTAIL = N - NS * OROWS

RBLK = 1000


def _spmm_body(sup_hbm, src_hbm, dst_hbm, zeros_hbm, out_hbm,
               src_v, dst_v, buf0, acc, sem0):
    cid = lax.axis_index("c")
    sid = lax.axis_index("s")
    wid = cid * NS + sid

    pltpu.sync_copy(zeros_hbm, acc.at[pl.ds(sid * ZROWS, ZROWS)])
    pltpu.sync_copy(src_hbm.at[wid], src_v)
    pltpu.sync_copy(dst_hbm.at[wid], dst_v)
    plsc.subcore_barrier()

    def step(j, carry):
        pltpu.async_copy(sup_hbm.at[src_v.at[j]], buf0, sem0).wait()
        pltpu.sync_copy(buf0, acc.at[dst_v.at[j]], add=True)
        return carry

    lax.fori_loop(0, NCHUNK, step, 0)

    plsc.subcore_barrier()
    pltpu.sync_copy(acc.at[pl.ds(sid * OROWS, OROWS)],
                    out_hbm.at[pl.ds(cid * N + sid * OROWS, OROWS)])

    @pl.when(sid == NS - 1)
    def _():
        pltpu.sync_copy(acc.at[pl.ds(NS * OROWS, OTAIL)],
                        out_hbm.at[pl.ds(cid * N + NS * OROWS, OTAIL)])


_spmm_sc = pl.kernel(
    _spmm_body,
    out_type=jax.ShapeDtypeStruct((NC * N, D), jnp.float32),
    mesh=plsc.VectorSubcoreMesh(core_axis_name="c", subcore_axis_name="s"),
    scratch_types=[
        pltpu.VMEM((NCHUNK, CH), jnp.int32),
        pltpu.VMEM((NCHUNK, CH), jnp.int32),
        pltpu.VMEM((CH, D), jnp.float32),
        pltpu.VMEM_SHARED((ACC_ROWS, D), jnp.float32),
        pltpu.SemaphoreType.DMA,
    ],
)


def _mm_body(x_ref, w_ref, o_ref):
    o_ref[...] = jnp.dot(x_ref[...], w_ref[...],
                         preferred_element_type=jnp.float32)


def _mid_body(p0_ref, p1_ref, b_ref, w_ref, o_ref):
    h = jnp.maximum(p0_ref[...] + p1_ref[...] + b_ref[...], 0.0)
    o_ref[...] = jnp.dot(h, w_ref[...], preferred_element_type=jnp.float32)


def _fin_body(p0_ref, p1_ref, b_ref, o_ref):
    o_ref[...] = jnp.maximum(p0_ref[...] + p1_ref[...] + b_ref[...], 0.0)


_GRID = N // RBLK
_row_spec = pl.BlockSpec((RBLK, D), lambda i: (i, 0))
_p0_spec = pl.BlockSpec((RBLK, D), lambda i: (i, 0))
_p1_spec = pl.BlockSpec((RBLK, D), lambda i: (i + _GRID, 0))
_b_spec = pl.BlockSpec((1, D), lambda i: (0, 0))
_w_spec = pl.BlockSpec((D, D), lambda i: (0, 0))
_out_f32 = jax.ShapeDtypeStruct((N, D), jnp.float32)

_mm = pl.pallas_call(
    _mm_body, grid=(_GRID,),
    in_specs=[_row_spec, _w_spec], out_specs=_row_spec, out_shape=_out_f32)

_mid = pl.pallas_call(
    _mid_body, grid=(_GRID,),
    in_specs=[_p0_spec, _p1_spec, _b_spec, _w_spec],
    out_specs=_row_spec, out_shape=_out_f32)

_fin = pl.pallas_call(
    _fin_body, grid=(_GRID,),
    in_specs=[_p0_spec, _p1_spec, _b_spec], out_specs=_row_spec,
    out_shape=_out_f32)


def kernel(x, edge_index, W1, b1, W2, b2):
    src = edge_index[0].astype(jnp.int32)
    dst = edge_index[1].astype(jnp.int32)
    pad = EP - E
    src_r = jnp.concatenate(
        [src, jnp.zeros((pad,), jnp.int32)]).reshape(NW, NCHUNK, CH)
    dst_r = jnp.concatenate(
        [dst, jnp.full((pad,), N, jnp.int32)]).reshape(NW, NCHUNK, CH)
    zeros = jnp.zeros((ZROWS, D), jnp.float32)
    b1r = b1.reshape(1, D)
    b2r = b2.reshape(1, D)

    s1 = _mm(x, W1)
    p1 = _spmm_sc(s1, src_r, dst_r, zeros)
    s2 = _mid(p1, p1, b1r, W2)
    p2 = _spmm_sc(s2, src_r, dst_r, zeros)
    return _fin(p2, p2, b2r)

# --- scband reference (transcript-rebuilt; emitter-appended) ---
"""Pipeline reference for scband-gcn-63324997812883 (READ-ONLY COPY).

The authoritative reference and input builder live on the scoring server;
editing this copy changes nothing except your own understanding.
"""

import jax, jax.numpy as jnp
import numpy as np

N_NODES = 10000
N_EDGES = 320000
D = 128


def setup_inputs(seed: int = 0) -> dict:
    key = jax.random.key(seed)
    k1, k2, k3, k4, k5, k6 = jax.random.split(key, 6)
    x = jax.random.normal(k1, (N_NODES, D), dtype=jnp.float32)
    edge_index = jax.random.randint(k2, (2, N_EDGES), 0, N_NODES, dtype=jnp.int64)
    # GraphConvolution weights for layer_size=[128,128,128] -> two GCN layers
    scale1 = 1.0 / np.sqrt(D)
    W1 = jax.random.uniform(k3, (D, D), dtype=jnp.float32, minval=-scale1, maxval=scale1)
    b1 = jax.random.uniform(k4, (D,), dtype=jnp.float32, minval=-scale1, maxval=scale1)
    W2 = jax.random.uniform(k5, (D, D), dtype=jnp.float32, minval=-scale1, maxval=scale1)
    b2 = jax.random.uniform(k6, (D,), dtype=jnp.float32, minval=-scale1, maxval=scale1)
    return {"x": x, "edge_index": edge_index, "W1": W1, "b1": b1, "W2": W2, "b2": b2}


def reference(x, edge_index, W1, b1, W2, b2):
    # Faithful translation of GCN.forward with fs=False, dropout=0.0:
    #   for each GraphConvolution layer: x = relu(spmm(adj, x @ W) + b)
    # adj is the unweighted adjacency (values = 1), so spmm is a
    # gather along src followed by scatter-add along dst.
    src = edge_index[0]
    dst = edge_index[1]

    def gcn_layer(h, W, b):
        support = h @ W                       # dense transform
        msgs = jnp.take(support, src, axis=0)  # gather source features
        aggregated = jnp.zeros_like(support).at[dst].add(msgs)  # scatter-add to dst
        return aggregated + b

    h = jax.nn.relu(gcn_layer(x, W1, b1))
    h = jax.nn.relu(gcn_layer(h, W2, b2))
    return h

if __name__ == "__main__":
    import jax
    _d = setup_inputs()
    print(jax.jit(kernel)(*tuple(_d.values())))

</pallas_src>

<mosaic_0001>
#map = affine_map<(d0, d1) -> (0, 0)>
#map1 = affine_map<(d0, d1) -> (0, 0, 0)>
module attributes {stable_mosaic.version = 14 : i64} {
  func.func @_spmm_body(%arg0: i32, %arg1: i32, %arg2: memref<10000x128xf32, #tpu.memory_space<hbm>>, %arg3: memref<32x80x128xi32, #tpu.memory_space<hbm>>, %arg4: memref<32x80x128xi32, #tpu.memory_space<hbm>>, %arg5: memref<640x128xf32, #tpu.memory_space<hbm>>, %arg6: memref<20000x128xf32, #tpu.memory_space<hbm>>, %arg7: memref<80x128xi32, #tpu.memory_space<vmem>>, %arg8: memref<80x128xi32, #tpu.memory_space<vmem>>, %arg9: memref<128x128xf32, #tpu.memory_space<vmem>>, %arg10: memref<10240x128xf32, #tpu.memory_space<vmem_shared>>, %arg11: memref<!tpu.dma_semaphore, #tpu.memory_space<semaphore_mem>>) attributes {dimension_semantics = [#tpu.dimension_semantics<core_parallel>, #tpu.dimension_semantics<subcore_parallel>], iteration_bounds = array<i64: 2, 16>, scalar_prefetch = 0 : i64, scratch_operands = 5 : i64, tpu.core_type = #tpu.core_type<sc_vector_subcore>, window_params = [{transform_indices = #map}, {transform_indices = #map1}, {transform_indices = #map1}, {transform_indices = #map}, {transform_indices = #map}]} {
    %mul3A = arith.constant 16 : i32
    %mul3A_0 = arith.muli %arg0, %mul3A : i32
    %add3A = arith.addi %mul3A_0, %arg1 : i32
    %mul3A_1 = arith.constant 640 : i32
    %mul3A_2 = arith.muli %arg1, %mul3A_1 : i32
    "tpu.region"() ({
      %run_scoped3A = tpu.sem_alloc : memref<!tpu.dma_semaphore, #tpu.memory_space<semaphore_mem>>
      %dma_start3A = arith.constant 0 : i32
      %dma_start3A_18 = tpu.memref_slice %arg10[%mul3A_2, %dma_start3A] : memref<10240x128xf32, #tpu.memory_space<vmem_shared>> -> memref<640x128xf32, #tpu.memory_space<vmem_shared>>
      tpu.enqueue_dma source(%arg5 : memref<640x128xf32, #tpu.memory_space<hbm>>) target(%dma_start3A_18 : memref<640x128xf32, #tpu.memory_space<vmem_shared>>) target_semaphore(%run_scoped3A : memref<!tpu.dma_semaphore, #tpu.memory_space<semaphore_mem>>)
      %dma_wait3A = arith.constant 0 : i32
      %dma_wait3A_19 = tpu.memref_slice %arg10[%mul3A_2, %dma_wait3A] : memref<10240x128xf32, #tpu.memory_space<vmem_shared>> -> memref<640x128xf32, #tpu.memory_space<vmem_shared>>
      tpu.wait_dma2 semaphore(%run_scoped3A : memref<!tpu.dma_semaphore, #tpu.memory_space<semaphore_mem>>) src(%arg5 : memref<640x128xf32, #tpu.memory_space<hbm>>) dst(%dma_wait3A_19 : memref<640x128xf32, #tpu.memory_space<vmem_shared>>)
      tpu.yield
    }) : () -> ()
    "tpu.region"() ({
      %run_scoped3A = tpu.sem_alloc : memref<!tpu.dma_semaphore, #tpu.memory_space<semaphore_mem>>
      %dma_start3A = arith.constant 0 : i32
      %dma_start3A_18 = arith.constant 0 : i32
      %dma_start3A_19 = tpu.memref_slice %arg3[%add3A, %dma_start3A, %dma_start3A_18] : memref<32x80x128xi32, #tpu.memory_space<hbm>> -> memref<1x80x128xi32, #tpu.memory_space<hbm>>
      %dma_start3A_20 = tpu.memref_squeeze %dma_start3A_19 : memref<1x80x128xi32, #tpu.memory_space<hbm>> -> memref<80x128xi32, #tpu.memory_space<hbm>>
      %dma_start3A_21 = arith.constant 0 : i32
      %dma_start3A_22 = arith.constant 0 : i32
      %dma_start3A_23 = tpu.memref_slice %arg3[%add3A, %dma_start3A_21, %dma_start3A_22] : memref<32x80x128xi32, #tpu.memory_space<hbm>> -> memref<1x80x128xi32, #tpu.memory_space<hbm>>
      %dma_start3A_24 = tpu.memref_squeeze %dma_start3A_23 : memref<1x80x128xi32, #tpu.memory_space<hbm>> -> memref<80x128xi32, #tpu.memory_space<hbm>>
      tpu.enqueue_dma source(%dma_start3A_24 : memref<80x128xi32, #tpu.memory_space<hbm>>) target(%arg7 : memref<80x128xi32, #tpu.memory_space<vmem>>) target_semaphore(%run_scoped3A : memref<!tpu.dma_semaphore, #tpu.memory_space<semaphore_mem>>)
      %dma_wait3A = arith.constant 0 : i32
      %dma_wait3A_25 = arith.constant 0 : i32
      %dma_wait3A_26 = tpu.memref_slice %arg3[%add3A, %dma_wait3A, %dma_wait3A_25] : memref<32x80x128xi32, #tpu.memory_space<hbm>> -> memref<1x80x128xi32, #tpu.memory_space<hbm>>
      %dma_wait3A_27 = tpu.memref_squeeze %dma_wait3A_26 : memref<1x80x128xi32, #tpu.memory_space<hbm>> -> memref<80x128xi32, #tpu.memory_space<hbm>>
      %dma_wait3A_28 = arith.constant 0 : i32
      %dma_wait3A_29 = arith.constant 0 : i32
      %dma_wait3A_30 = tpu.memref_slice %arg3[%add3A, %dma_wait3A_28, %dma_wait3A_29] : memref<32x80x128xi32, #tpu.memory_space<hbm>> -> memref<1x80x128xi32, #tpu.memory_space<hbm>>
      %dma_wait3A_31 = tpu.memref_squeeze %dma_wait3A_30 : memref<1x80x128xi32, #tpu.memory_space<hbm>> -> memref<80x128xi32, #tpu.memory_space<hbm>>
      tpu.wait_dma2 semaphore(%run_scoped3A : memref<!tpu.dma_semaphore, #tpu.memory_space<semaphore_mem>>) src(%dma_wait3A_31 : memref<80x128xi32, #tpu.memory_space<hbm>>) dst(%arg7 : memref<80x128xi32, #tpu.memory_space<vmem>>)
      tpu.yield
    }) : () -> ()
    "tpu.region"() ({
      %run_scoped3A = tpu.sem_alloc : memref<!tpu.dma_semaphore, #tpu.memory_space<semaphore_mem>>
      %dma_start3A = arith.constant 0 : i32
      %dma_start3A_18 = arith.constant 0 : i32
      %dma_start3A_19 = tpu.memref_slice %arg4[%add3A, %dma_start3A, %dma_start3A_18] : memref<32x80x128xi32, #tpu.memory_space<hbm>> -> memref<1x80x128xi32, #tpu.memory_space<hbm>>
      %dma_start3A_20 = tpu.memref_squeeze %dma_start3A_19 : memref<1x80x128xi32, #tpu.memory_space<hbm>> -> memref<80x128xi32, #tpu.memory_space<hbm>>
      %dma_start3A_21 = arith.constant 0 : i32
      %dma_start3A_22 = arith.constant 0 : i32
      %dma_start3A_23 = tpu.memref_slice %arg4[%add3A, %dma_start3A_21, %dma_start3A_22] : memref<32x80x128xi32, #tpu.memory_space<hbm>> -> memref<1x80x128xi32, #tpu.memory_space<hbm>>
      %dma_start3A_24 = tpu.memref_squeeze %dma_start3A_23 : memref<1x80x128xi32, #tpu.memory_space<hbm>> -> memref<80x128xi32, #tpu.memory_space<hbm>>
      tpu.enqueue_dma source(%dma_start3A_24 : memref<80x128xi32, #tpu.memory_space<hbm>>) target(%arg8 : memref<80x128xi32, #tpu.memory_space<vmem>>) target_semaphore(%run_scoped3A : memref<!tpu.dma_semaphore, #tpu.memory_space<semaphore_mem>>)
      %dma_wait3A = arith.constant 0 : i32
      %dma_wait3A_25 = arith.constant 0 : i32
      %dma_wait3A_26 = tpu.memref_slice %arg4[%add3A, %dma_wait3A, %dma_wait3A_25] : memref<32x80x128xi32, #tpu.memory_space<hbm>> -> memref<1x80x128xi32, #tpu.memory_space<hbm>>
      %dma_wait3A_27 = tpu.memref_squeeze %dma_wait3A_26 : memref<1x80x128xi32, #tpu.memory_space<hbm>> -> memref<80x128xi32, #tpu.memory_space<hbm>>
      %dma_wait3A_28 = arith.constant 0 : i32
      %dma_wait3A_29 = arith.constant 0 : i32
      %dma_wait3A_30 = tpu.memref_slice %arg4[%add3A, %dma_wait3A_28, %dma_wait3A_29] : memref<32x80x128xi32, #tpu.memory_space<hbm>> -> memref<1x80x128xi32, #tpu.memory_space<hbm>>
      %dma_wait3A_31 = tpu.memref_squeeze %dma_wait3A_30 : memref<1x80x128xi32, #tpu.memory_space<hbm>> -> memref<80x128xi32, #tpu.memory_space<hbm>>
      tpu.wait_dma2 semaphore(%run_scoped3A : memref<!tpu.dma_semaphore, #tpu.memory_space<semaphore_mem>>) src(%dma_wait3A_31 : memref<80x128xi32, #tpu.memory_space<hbm>>) dst(%arg8 : memref<80x128xi32, #tpu.memory_space<vmem>>)
      tpu.yield
    }) : () -> ()
    %barrier3A = arith.constant 0 : index
    tpu.barrier barrier_id(%barrier3A)
    %scan3A = arith.constant 0 : i32
    %scan3A_3 = arith.constant 0 : i32
    %scan3A_4 = arith.constant 80 : i32
    %scan3A_5 = arith.addi %scan3A_3, %scan3A_4 : i32
    %scan3A_6 = arith.constant 1 : i32
    scf.for %scan3A_18 = %scan3A_3 to %scan3A_5 step %scan3A_6  : i32 {
      %dma_start3A = arith.constant 0 : i32
      %dma_start3A_19 = tpu.memref_slice %arg7[%scan3A_18, %dma_start3A] : memref<80x128xi32, #tpu.memory_space<vmem>> -> memref<1x128xi32, #tpu.memory_space<vmem>>
      %dma_start3A_20 = tpu.memref_squeeze %dma_start3A_19 : memref<1x128xi32, #tpu.memory_space<vmem>> -> memref<128xi32, #tpu.memory_space<vmem>>
      %dma_start3A_21 = arith.constant 0 : i32
      %dma_start3A_22 = arith.constant 0 : i32
      %dma_start3A_23 = tpu.memref_slice %arg2[%dma_start3A_21, %dma_start3A_22] : memref<10000x128xf32, #tpu.memory_space<hbm>> -> memref<10000x128xf32, #tpu.memory_space<hbm>>
      tpu.enqueue_indirect_dma source(%dma_start3A_23 : memref<10000x128xf32, #tpu.memory_space<hbm>>) target(%arg9 : memref<128x128xf32, #tpu.memory_space<vmem>>) offsets(%dma_start3A_20 : memref<128xi32, #tpu.memory_space<vmem>>) semaphore(%arg11 : memref<!tpu.dma_semaphore, #tpu.memory_space<semaphore_mem>>)
      %dma_wait3A = arith.constant 0 : i32
      %dma_wait3A_24 = tpu.memref_slice %arg7[%scan3A_18, %dma_wait3A] : memref<80x128xi32, #tpu.memory_space<vmem>> -> memref<1x128xi32, #tpu.memory_space<vmem>>
      %dma_wait3A_25 = tpu.memref_squeeze %dma_wait3A_24 : memref<1x128xi32, #tpu.memory_space<vmem>> -> memref<128xi32, #tpu.memory_space<vmem>>
      %dma_wait3A_26 = arith.constant 0 : i32
      %dma_wait3A_27 = arith.constant 0 : i32
      %dma_wait3A_28 = tpu.memref_slice %arg2[%dma_wait3A_26, %dma_wait3A_27] : memref<10000x128xf32, #tpu.memory_space<hbm>> -> memref<10000x128xf32, #tpu.memory_space<hbm>>
      tpu.wait_indirect_dma semaphore(%arg11 : memref<!tpu.dma_semaphore, #tpu.memory_space<semaphore_mem>>) src(%dma_wait3A_28 : memref<10000x128xf32, #tpu.memory_space<hbm>>) dst(%arg9 : memref<128x128xf32, #tpu.memory_space<vmem>>)
      "tpu.region"() ({
        %run_scoped3A = tpu.sem_alloc : memref<!tpu.dma_semaphore, #tpu.memory_space<semaphore_mem>>
        %dma_start3A_29 = arith.constant 0 : i32
        %dma_start3A_30 = tpu.memref_slice %arg8[%scan3A_18, %dma_start3A_29] : memref<80x128xi32, #tpu.memory_space<vmem>> -> memref<1x128xi32, #tpu.memory_space<vmem>>
        %dma_start3A_31 = tpu.memref_squeeze %dma_start3A_30 : memref<1x128xi32, #tpu.memory_space<vmem>> -> memref<128xi32, #tpu.memory_space<vmem>>
        %dma_start3A_32 = arith.constant 0 : i32
        %dma_start3A_33 = arith.constant 0 : i32
        %dma_start3A_34 = tpu.memref_slice %arg10[%dma_start3A_32, %dma_start3A_33] : memref<10240x128xf32, #tpu.memory_space<vmem_shared>> -> memref<10240x128xf32, #tpu.memory_space<vmem_shared>>
        tpu.enqueue_indirect_dma source(%arg9 : memref<128x128xf32, #tpu.memory_space<vmem>>) target(%dma_start3A_34 : memref<10240x128xf32, #tpu.memory_space<vmem_shared>>) offsets(%dma_start3A_31 : memref<128xi32, #tpu.memory_space<vmem>>) semaphore(%run_scoped3A : memref<!tpu.dma_semaphore, #tpu.memory_space<semaphore_mem>>) {add = true}
        %dma_wait3A_35 = arith.constant 0 : i32
        %dma_wait3A_36 = tpu.memref_slice %arg8[%scan3A_18, %dma_wait3A_35] : memref<80x128xi32, #tpu.memory_space<vmem>> -> memref<1x128xi32, #tpu.memory_space<vmem>>
        %dma_wait3A_37 = tpu.memref_squeeze %dma_wait3A_36 : memref<1x128xi32, #tpu.memory_space<vmem>> -> memref<128xi32, #tpu.memory_space<vmem>>
        %dma_wait3A_38 = arith.constant 0 : i32
        %dma_wait3A_39 = arith.constant 0 : i32
        %dma_wait3A_40 = tpu.memref_slice %arg10[%dma_wait3A_38, %dma_wait3A_39] : memref<10240x128xf32, #tpu.memory_space<vmem_shared>> -> memref<10240x128xf32, #tpu.memory_space<vmem_shared>>
        tpu.wait_indirect_dma semaphore(%run_scoped3A : memref<!tpu.dma_semaphore, #tpu.memory_space<semaphore_mem>>) src(%arg9 : memref<128x128xf32, #tpu.memory_space<vmem>>) dst(%dma_wait3A_40 : memref<10240x128xf32, #tpu.memory_space<vmem_shared>>)
        tpu.yield
      }) : () -> ()
    }
    %scan3A_7 = arith.constant 80 : i32
    %barrier3A_8 = arith.constant 0 : index
    tpu.barrier barrier_id(%barrier3A_8)
    %mul3A_9 = arith.constant 624 : i32
    %mul3A_10 = arith.muli %arg1, %mul3A_9 : i32
    %mul3A_11 = arith.constant 10000 : i32
    %mul3A_12 = arith.muli %arg0, %mul3A_11 : i32
    %mul3A_13 = arith.constant 624 : i32
    %mul3A_14 = arith.muli %arg1, %mul3A_13 : i32
    %add3A_15 = arith.addi %mul3A_12, %mul3A_14 : i32
    "tpu.region"() ({
      %run_scoped3A = tpu.sem_alloc : memref<!tpu.dma_semaphore, #tpu.memory_space<semaphore_mem>>
      %dma_start3A = arith.constant 0 : i32
      %dma_start3A_18 = tpu.memref_slice %arg6[%add3A_15, %dma_start3A] : memref<20000x128xf32, #tpu.memory_space<hbm>> -> memref<624x128xf32, #tpu.memory_space<hbm>>
      %dma_start3A_19 = arith.constant 0 : i32
      %dma_start3A_20 = tpu.memref_slice %arg10[%mul3A_10, %dma_start3A_19] : memref<10240x128xf32, #tpu.memory_space<vmem_shared>> -> memref<624x128xf32, #tpu.memory_space<vmem_shared>>
      tpu.enqueue_dma source(%dma_start3A_20 : memref<624x128xf32, #tpu.memory_space<vmem_shared>>) target(%dma_start3A_18 : memref<624x128xf32, #tpu.memory_space<hbm>>) target_semaphore(%run_scoped3A : memref<!tpu.dma_semaphore, #tpu.memory_space<semaphore_mem>>)
      %dma_wait3A = arith.constant 0 : i32
      %dma_wait3A_21 = tpu.memref_slice %arg6[%add3A_15, %dma_wait3A] : memref<20000x128xf32, #tpu.memory_space<hbm>> -> memref<624x128xf32, #tpu.memory_space<hbm>>
      %dma_wait3A_22 = arith.constant 0 : i32
      %dma_wait3A_23 = tpu.memref_slice %arg10[%mul3A_10, %dma_wait3A_22] : memref<10240x128xf32, #tpu.memory_space<vmem_shared>> -> memref<624x128xf32, #tpu.memory_space<vmem_shared>>
      tpu.wait_dma2 semaphore(%run_scoped3A : memref<!tpu.dma_semaphore, #tpu.memory_space<semaphore_mem>>) src(%dma_wait3A_23 : memref<624x128xf32, #tpu.memory_space<vmem_shared>>) dst(%dma_wait3A_21 : memref<624x128xf32, #tpu.memory_space<hbm>>)
      tpu.yield
    }) : () -> ()
    %eq3A = arith.constant 15 : i32
    %eq3A_16 = arith.cmpi eq, %arg1, %eq3A : i32
    %convert_element_type3A = arith.extui %eq3A_16 : i1 to i32
    %cond3A = arith.constant 0 : i32
    %cond3A_17 = arith.cmpi ne, %convert_element_type3A, %cond3A : i32
    scf.if %cond3A_17 {
      %mul3A_18 = arith.constant 10000 : i32
      %mul3A_19 = arith.muli %arg0, %mul3A_18 : i32
      %add3A_20 = arith.constant 9984 : i32
      %add3A_21 = arith.addi %mul3A_19, %add3A_20 : i32
      "tpu.region"() ({
        %run_scoped3A = tpu.sem_alloc : memref<!tpu.dma_semaphore, #tpu.memory_space<semaphore_mem>>
        %dma_start3A = arith.constant 0 : i32
        %dma_start3A_22 = tpu.memref_slice %arg6[%add3A_21, %dma_start3A] : memref<20000x128xf32, #tpu.memory_space<hbm>> -> memref<16x128xf32, #tpu.memory_space<hbm>>
        %dma_start3A_23 = arith.constant 9984 : i32
        %dma_start3A_24 = arith.constant 0 : i32
        %dma_start3A_25 = tpu.memref_slice %arg10[%dma_start3A_23, %dma_start3A_24] : memref<10240x128xf32, #tpu.memory_space<vmem_shared>> -> memref<16x128xf32, #tpu.memory_space<vmem_shared>>
        tpu.enqueue_dma source(%dma_start3A_25 : memref<16x128xf32, #tpu.memory_space<vmem_shared>>) target(%dma_start3A_22 : memref<16x128xf32, #tpu.memory_space<hbm>>) target_semaphore(%run_scoped3A : memref<!tpu.dma_semaphore, #tpu.memory_space<semaphore_mem>>)
        %dma_wait3A = arith.constant 0 : i32
        %dma_wait3A_26 = tpu.memref_slice %arg6[%add3A_21, %dma_wait3A] : memref<20000x128xf32, #tpu.memory_space<hbm>> -> memref<16x128xf32, #tpu.memory_space<hbm>>
        %dma_wait3A_27 = arith.constant 9984 : i32
        %dma_wait3A_28 = arith.constant 0 : i32
        %dma_wait3A_29 = tpu.memref_slice %arg10[%dma_wait3A_27, %dma_wait3A_28] : memref<10240x128xf32, #tpu.memory_space<vmem_shared>> -> memref<16x128xf32, #tpu.memory_space<vmem_shared>>
        tpu.wait_dma2 semaphore(%run_scoped3A : memref<!tpu.dma_semaphore, #tpu.memory_space<semaphore_mem>>) src(%dma_wait3A_29 : memref<16x128xf32, #tpu.memory_space<vmem_shared>>) dst(%dma_wait3A_26 : memref<16x128xf32, #tpu.memory_space<hbm>>)
        tpu.yield
      }) : () -> ()
    } else {
    }
    return
  }
}

#map = affine_map<(d0, d1) -> (0, 0)>
#map1 = affine_map<(d0, d1) -> (0, 0, 0)>
module attributes {stable_mosaic.version = 14 : i64} {
  func.func @_spmm_body(%arg0: i32, %arg1: i32, %arg2: memref<10000x128xf32, #tpu.memory_space<hbm>>, %arg3: memref<32x80x128xi32, #tpu.memory_space<hbm>>, %arg4: memref<32x80x128xi32, #tpu.memory_space<hbm>>, %arg5: memref<640x128xf32, #tpu.memory_space<hbm>>, %arg6: memref<20000x128xf32, #tpu.memory_space<hbm>>, %arg7: memref<80x128xi32, #tpu.memory_space<vmem>>, %arg8: memref<80x128xi32, #tpu.memory_space<vmem>>, %arg9: memref<128x128xf32, #tpu.memory_space<vmem>>, %arg10: memref<10240x128xf32, #tpu.memory_space<vmem_shared>>, %arg11: memref<!tpu.dma_semaphore, #tpu.memory_space<semaphore_mem>>) attributes {dimension_semantics = [#tpu.dimension_semantics<core_parallel>, #tpu.dimension_semantics<subcore_parallel>], iteration_bounds = array<i64: 2, 16>, scalar_prefetch = 0 : i64, scratch_operands = 5 : i64, tpu.core_type = #tpu.core_type<sc_vector_subcore>, window_params = [{transform_indices = #map}, {transform_indices = #map1}, {transform_indices = #map1}, {transform_indices = #map}, {transform_indices = #map}]} {
    %mul3A = arith.constant 16 : i32
    %mul3A_0 = arith.muli %arg0, %mul3A : i32
    %add3A = arith.addi %mul3A_0, %arg1 : i32
    %mul3A_1 = arith.constant 640 : i32
    %mul3A_2 = arith.muli %arg1, %mul3A_1 : i32
    "tpu.region"() ({
      %run_scoped3A = tpu.sem_alloc : memref<!tpu.dma_semaphore, #tpu.memory_space<semaphore_mem>>
      %dma_start3A = arith.constant 0 : i32
      %dma_start3A_18 = tpu.memref_slice %arg10[%mul3A_2, %dma_start3A] : memref<10240x128xf32, #tpu.memory_space<vmem_shared>> -> memref<640x128xf32, #tpu.memory_space<vmem_shared>>
      tpu.enqueue_dma source(%arg5 : memref<640x128xf32, #tpu.memory_space<hbm>>) target(%dma_start3A_18 : memref<640x128xf32, #tpu.memory_space<vmem_shared>>) target_semaphore(%run_scoped3A : memref<!tpu.dma_semaphore, #tpu.memory_space<semaphore_mem>>)
      %dma_wait3A = arith.constant 0 : i32
      %dma_wait3A_19 = tpu.memref_slice %arg10[%mul3A_2, %dma_wait3A] : memref<10240x128xf32, #tpu.memory_space<vmem_shared>> -> memref<640x128xf32, #tpu.memory_space<vmem_shared>>
      tpu.wait_dma2 semaphore(%run_scoped3A : memref<!tpu.dma_semaphore, #tpu.memory_space<semaphore_mem>>) src(%arg5 : memref<640x128xf32, #tpu.memory_space<hbm>>) dst(%dma_wait3A_19 : memref<640x128xf32, #tpu.memory_space<vmem_shared>>)
      tpu.yield
    }) : () -> ()
    "tpu.region"() ({
      %run_scoped3A = tpu.sem_alloc : memref<!tpu.dma_semaphore, #tpu.memory_space<semaphore_mem>>
      %dma_start3A = arith.constant 0 : i32
      %dma_start3A_18 = arith.constant 0 : i32
      %dma_start3A_19 = tpu.memref_slice %arg3[%add3A, %dma_start3A, %dma_start3A_18] : memref<32x80x128xi32, #tpu.memory_space<hbm>> -> memref<1x80x128xi32, #tpu.memory_space<hbm>>
      %dma_start3A_20 = tpu.memref_squeeze %dma_start3A_19 : memref<1x80x128xi32, #tpu.memory_space<hbm>> -> memref<80x128xi32, #tpu.memory_space<hbm>>
      %dma_start3A_21 = arith.constant 0 : i32
      %dma_start3A_22 = arith.constant 0 : i32
      %dma_start3A_23 = tpu.memref_slice %arg3[%add3A, %dma_start3A_21, %dma_start3A_22] : memref<32x80x128xi32, #tpu.memory_space<hbm>> -> memref<1x80x128xi32, #tpu.memory_space<hbm>>
      %dma_start3A_24 = tpu.memref_squeeze %dma_start3A_23 : memref<1x80x128xi32, #tpu.memory_space<hbm>> -> memref<80x128xi32, #tpu.memory_space<hbm>>
      tpu.enqueue_dma source(%dma_start3A_24 : memref<80x128xi32, #tpu.memory_space<hbm>>) target(%arg7 : memref<80x128xi32, #tpu.memory_space<vmem>>) target_semaphore(%run_scoped3A : memref<!tpu.dma_semaphore, #tpu.memory_space<semaphore_mem>>)
      %dma_wait3A = arith.constant 0 : i32
      %dma_wait3A_25 = arith.constant 0 : i32
      %dma_wait3A_26 = tpu.memref_slice %arg3[%add3A, %dma_wait3A, %dma_wait3A_25] : memref<32x80x128xi32, #tpu.memory_space<hbm>> -> memref<1x80x128xi32, #tpu.memory_space<hbm>>
      %dma_wait3A_27 = tpu.memref_squeeze %dma_wait3A_26 : memref<1x80x128xi32, #tpu.memory_space<hbm>> -> memref<80x128xi32, #tpu.memory_space<hbm>>
      %dma_wait3A_28 = arith.constant 0 : i32
      %dma_wait3A_29 = arith.constant 0 : i32
      %dma_wait3A_30 = tpu.memref_slice %arg3[%add3A, %dma_wait3A_28, %dma_wait3A_29] : memref<32x80x128xi32, #tpu.memory_space<hbm>> -> memref<1x80x128xi32, #tpu.memory_space<hbm>>
      %dma_wait3A_31 = tpu.memref_squeeze %dma_wait3A_30 : memref<1x80x128xi32, #tpu.memory_space<hbm>> -> memref<80x128xi32, #tpu.memory_space<hbm>>
      tpu.wait_dma2 semaphore(%run_scoped3A : memref<!tpu.dma_semaphore, #tpu.memory_space<semaphore_mem>>) src(%dma_wait3A_31 : memref<80x128xi32, #tpu.memory_space<hbm>>) dst(%arg7 : memref<80x128xi32, #tpu.memory_space<vmem>>)
      tpu.yield
    }) : () -> ()
    "tpu.region"() ({
      %run_scoped3A = tpu.sem_alloc : memref<!tpu.dma_semaphore, #tpu.memory_space<semaphore_mem>>
      %dma_start3A = arith.constant 0 : i32
      %dma_start3A_18 = arith.constant 0 : i32
      %dma_start3A_19 = tpu.memref_slice %arg4[%add3A, %dma_start3A, %dma_start3A_18] : memref<32x80x128xi32, #tpu.memory_space<hbm>> -> memref<1x80x128xi32, #tpu.memory_space<hbm>>
      %dma_start3A_20 = tpu.memref_squeeze %dma_start3A_19 : memref<1x80x128xi32, #tpu.memory_space<hbm>> -> memref<80x128xi32, #tpu.memory_space<hbm>>
      %dma_start3A_21 = arith.constant 0 : i32
      %dma_start3A_22 = arith.constant 0 : i32
      %dma_start3A_23 = tpu.memref_slice %arg4[%add3A, %dma_start3A_21, %dma_start3A_22] : memref<32x80x128xi32, #tpu.memory_space<hbm>> -> memref<1x80x128xi32, #tpu.memory_space<hbm>>
      %dma_start3A_24 = tpu.memref_squeeze %dma_start3A_23 : memref<1x80x128xi32, #tpu.memory_space<hbm>> -> memref<80x128xi32, #tpu.memory_space<hbm>>
      tpu.enqueue_dma source(%dma_start3A_24 : memref<80x128xi32, #tpu.memory_space<hbm>>) target(%arg8 : memref<80x128xi32, #tpu.memory_space<vmem>>) target_semaphore(%run_scoped3A : memref<!tpu.dma_semaphore, #tpu.memory_space<semaphore_mem>>)
      %dma_wait3A = arith.constant 0 : i32
      %dma_wait3A_25 = arith.constant 0 : i32
      %dma_wait3A_26 = tpu.memref_slice %arg4[%add3A, %dma_wait3A, %dma_wait3A_25] : memref<32x80x128xi32, #tpu.memory_space<hbm>> -> memref<1x80x128xi32, #tpu.memory_space<hbm>>
      %dma_wait3A_27 = tpu.memref_squeeze %dma_wait3A_26 : memref<1x80x128xi32, #tpu.memory_space<hbm>> -> memref<80x128xi32, #tpu.memory_space<hbm>>
      %dma_wait3A_28 = arith.constant 0 : i32
      %dma_wait3A_29 = arith.constant 0 : i32
      %dma_wait3A_30 = tpu.memref_slice %arg4[%add3A, %dma_wait3A_28, %dma_wait3A_29] : memref<32x80x128xi32, #tpu.memory_space<hbm>> -> memref<1x80x128xi32, #tpu.memory_space<hbm>>
      %dma_wait3A_31 = tpu.memref_squeeze %dma_wait3A_30 : memref<1x80x128xi32, #tpu.memory_space<hbm>> -> memref<80x128xi32, #tpu.memory_space<hbm>>
      tpu.wait_dma2 semaphore(%run_scoped3A : memref<!tpu.dma_semaphore, #tpu.memory_space<semaphore_mem>>) src(%dma_wait3A_31 : memref<80x128xi32, #tpu.memory_space<hbm>>) dst(%arg8 : memref<80x128xi32, #tpu.memory_space<vmem>>)
      tpu.yield
    }) : () -> ()
    %barrier3A = arith.constant 0 : index
    tpu.barrier barrier_id(%barrier3A)
    %scan3A = arith.constant 0 : i32
    %scan3A_3 = arith.constant 0 : i32
    %scan3A_4 = arith.constant 80 : i32
    %scan3A_5 = arith.addi %scan3A_3, %scan3A_4 : i32
    %scan3A_6 = arith.constant 1 : i32
    scf.for %scan3A_18 = %scan3A_3 to %scan3A_5 step %scan3A_6  : i32 {
      %dma_start3A = arith.constant 0 : i32
      %dma_start3A_19 = tpu.memref_slice %arg7[%scan3A_18, %dma_start3A] : memref<80x128xi32, #tpu.memory_space<vmem>> -> memref<1x128xi32, #tpu.memory_space<vmem>>
      %dma_start3A_20 = tpu.memref_squeeze %dma_start3A_19 : memref<1x128xi32, #tpu.memory_space<vmem>> -> memref<128xi32, #tpu.memory_space<vmem>>
      %dma_start3A_21 = arith.constant 0 : i32
      %dma_start3A_22 = arith.constant 0 : i32
      %dma_start3A_23 = tpu.memref_slice %arg2[%dma_start3A_21, %dma_start3A_22] : memref<10000x128xf32, #tpu.memory_space<hbm>> -> memref<10000x128xf32, #tpu.memory_space<hbm>>
      tpu.enqueue_indirect_dma source(%dma_start3A_23 : memref<10000x128xf32, #tpu.memory_space<hbm>>) target(%arg9 : memref<128x128xf32, #tpu.memory_space<vmem>>) offsets(%dma_start3A_20 : memref<128xi32, #tpu.memory_space<vmem>>) semaphore(%arg11 : memref<!tpu.dma_semaphore, #tpu.memory_space<semaphore_mem>>)
      %dma_wait3A = arith.constant 0 : i32
      %dma_wait3A_24 = tpu.memref_slice %arg7[%scan3A_18, %dma_wait3A] : memref<80x128xi32, #tpu.memory_space<vmem>> -> memref<1x128xi32, #tpu.memory_space<vmem>>
      %dma_wait3A_25 = tpu.memref_squeeze %dma_wait3A_24 : memref<1x128xi32, #tpu.memory_space<vmem>> -> memref<128xi32, #tpu.memory_space<vmem>>
      %dma_wait3A_26 = arith.constant 0 : i32
      %dma_wait3A_27 = arith.constant 0 : i32
      %dma_wait3A_28 = tpu.memref_slice %arg2[%dma_wait3A_26, %dma_wait3A_27] : memref<10000x128xf32, #tpu.memory_space<hbm>> -> memref<10000x128xf32, #tpu.memory_space<hbm>>
      tpu.wait_indirect_dma semaphore(%arg11 : memref<!tpu.dma_semaphore, #tpu.memory_space<semaphore_mem>>) src(%dma_wait3A_28 : memref<10000x128xf32, #tpu.memory_space<hbm>>) dst(%arg9 : memref<128x128xf32, #tpu.memory_space<vmem>>)
      "tpu.region"() ({
        %run_scoped3A = tpu.sem_alloc : memref<!tpu.dma_semaphore, #tpu.memory_space<semaphore_mem>>
        %dma_start3A_29 = arith.constant 0 : i32
        %dma_start3A_30 = tpu.memref_slice %arg8[%scan3A_18, %dma_start3A_29] : memref<80x128xi32, #tpu.memory_space<vmem>> -> memref<1x128xi32, #tpu.memory_space<vmem>>
        %dma_start3A_31 = tpu.memref_squeeze %dma_start3A_30 : memref<1x128xi32, #tpu.memory_space<vmem>> -> memref<128xi32, #tpu.memory_space<vmem>>
        %dma_start3A_32 = arith.constant 0 : i32
        %dma_start3A_33 = arith.constant 0 : i32
        %dma_start3A_34 = tpu.memref_slice %arg10[%dma_start3A_32, %dma_start3A_33] : memref<10240x128xf32, #tpu.memory_space<vmem_shared>> -> memref<10240x128xf32, #tpu.memory_space<vmem_shared>>
        tpu.enqueue_indirect_dma source(%arg9 : memref<128x128xf32, #tpu.memory_space<vmem>>) target(%dma_start3A_34 : memref<10240x128xf32, #tpu.memory_space<vmem_shared>>) offsets(%dma_start3A_31 : memref<128xi32, #tpu.memory_space<vmem>>) semaphore(%run_scoped3A : memref<!tpu.dma_semaphore, #tpu.memory_space<semaphore_mem>>) {add = true}
        %dma_wait3A_35 = arith.constant 0 : i32
        %dma_wait3A_36 = tpu.memref_slice %arg8[%scan3A_18, %dma_wait3A_35] : memref<80x128xi32, #tpu.memory_space<vmem>> -> memref<1x128xi32, #tpu.memory_space<vmem>>
        %dma_wait3A_37 = tpu.memref_squeeze %dma_wait3A_36 : memref<1x128xi32, #tpu.memory_space<vmem>> -> memref<128xi32, #tpu.memory_space<vmem>>
        %dma_wait3A_38 = arith.constant 0 : i32
        %dma_wait3A_39 = arith.constant 0 : i32
        %dma_wait3A_40 = tpu.memref_slice %arg10[%dma_wait3A_38, %dma_wait3A_39] : memref<10240x128xf32, #tpu.memory_space<vmem_shared>> -> memref<10240x128xf32, #tpu.memory_space<vmem_shared>>
        tpu.wait_indirect_dma semaphore(%run_scoped3A : memref<!tpu.dma_semaphore, #tpu.memory_space<semaphore_mem>>) src(%arg9 : memref<128x128xf32, #tpu.memory_space<vmem>>) dst(%dma_wait3A_40 : memref<10240x128xf32, #tpu.memory_space<vmem_shared>>)
        tpu.yield
      }) : () -> ()
    }
    %scan3A_7 = arith.constant 80 : i32
    %barrier3A_8 = arith.constant 0 : index
    tpu.barrier barrier_id(%barrier3A_8)
    %mul3A_9 = arith.constant 624 : i32
    %mul3A_10 = arith.muli %arg1, %mul3A_9 : i32
    %mul3A_11 = arith.constant 10000 : i32
    %mul3A_12 = arith.muli %arg0, %mul3A_11 : i32
    %mul3A_13 = arith.constant 624 : i32
    %mul3A_14 = arith.muli %arg1, %mul3A_13 : i32
    %add3A_15 = arith.addi %mul3A_12, %mul3A_14 : i32
    "tpu.region"() ({
      %run_scoped3A = tpu.sem_alloc : memref<!tpu.dma_semaphore, #tpu.memory_space<semaphore_mem>>
      %dma_start3A = arith.constant 0 : i32
      %dma_start3A_18 = tpu.memref_slice %arg6[%add3A_15, %dma_start3A] : memref<20000x128xf32, #tpu.memory_space<hbm>> -> memref<624x128xf32, #tpu.memory_space<hbm>>
      %dma_start3A_19 = arith.constant 0 : i32
      %dma_start3A_20 = tpu.memref_slice %arg10[%mul3A_10, %dma_start3A_19] : memref<10240x128xf32, #tpu.memory_space<vmem_shared>> -> memref<624x128xf32, #tpu.memory_space<vmem_shared>>
      tpu.enqueue_dma source(%dma_start3A_20 : memref<624x128xf32, #tpu.memory_space<vmem_shared>>) target(%dma_start3A_18 : memref<624x128xf32, #tpu.memory_space<hbm>>) target_semaphore(%run_scoped3A : memref<!tpu.dma_semaphore, #tpu.memory_space<semaphore_mem>>)
      %dma_wait3A = arith.constant 0 : i32
      %dma_wait3A_21 = tpu.memref_slice %arg6[%add3A_15, %dma_wait3A] : memref<20000x128xf32, #tpu.memory_space<hbm>> -> memref<624x128xf32, #tpu.memory_space<hbm>>
      %dma_wait3A_22 = arith.constant 0 : i32
      %dma_wait3A_23 = tpu.memref_slice %arg10[%mul3A_10, %dma_wait3A_22] : memref<10240x128xf32, #tpu.memory_space<vmem_shared>> -> memref<624x128xf32, #tpu.memory_space<vmem_shared>>
      tpu.wait_dma2 semaphore(%run_scoped3A : memref<!tpu.dma_semaphore, #tpu.memory_space<semaphore_mem>>) src(%dma_wait3A_23 : memref<624x128xf32, #tpu.memory_space<vmem_shared>>) dst(%dma_wait3A_21 : memref<624x128xf32, #tpu.memory_space<hbm>>)
      tpu.yield
    }) : () -> ()
    %eq3A = arith.constant 15 : i32
    %eq3A_16 = arith.cmpi eq, %arg1, %eq3A : i32
    %convert_element_type3A = arith.extui %eq3A_16 : i1 to i32
    %cond3A = arith.constant 0 : i32
    %cond3A_17 = arith.cmpi ne, %convert_element_type3A, %cond3A : i32
    scf.if %cond3A_17 {
      %mul3A_18 = arith.constant 10000 : i32
      %mul3A_19 = arith.muli %arg0, %mul3A_18 : i32
      %add3A_20 = arith.constant 9984 : i32
      %add3A_21 = arith.addi %mul3A_19, %add3A_20 : i32
      "tpu.region"() ({
        %run_scoped3A = tpu.sem_alloc : memref<!tpu.dma_semaphore, #tpu.memory_space<semaphore_mem>>
        %dma_start3A = arith.constant 0 : i32
        %dma_start3A_22 = tpu.memref_slice %arg6[%add3A_21, %dma_start3A] : memref<20000x128xf32, #tpu.memory_space<hbm>> -> memref<16x128xf32, #tpu.memory_space<hbm>>
        %dma_start3A_23 = arith.constant 9984 : i32
        %dma_start3A_24 = arith.constant 0 : i32
        %dma_start3A_25 = tpu.memref_slice %arg10[%dma_start3A_23, %dma_start3A_24] : memref<10240x128xf32, #tpu.memory_space<vmem_shared>> -> memref<16x128xf32, #tpu.memory_space<vmem_shared>>
        tpu.enqueue_dma source(%dma_start3A_25 : memref<16x128xf32, #tpu.memory_space<vmem_shared>>) target(%dma_start3A_22 : memref<16x128xf32, #tpu.memory_space<hbm>>) target_semaphore(%run_scoped3A : memref<!tpu.dma_semaphore, #tpu.memory_space<semaphore_mem>>)
        %dma_wait3A = arith.constant 0 : i32
        %dma_wait3A_26 = tpu.memref_slice %arg6[%add3A_21, %dma_wait3A] : memref<20000x128xf32, #tpu.memory_space<hbm>> -> memref<16x128xf32, #tpu.memory_space<hbm>>
        %dma_wait3A_27 = arith.constant 9984 : i32
        %dma_wait3A_28 = arith.constant 0 : i32
        %dma_wait3A_29 = tpu.memref_slice %arg10[%dma_wait3A_27, %dma_wait3A_28] : memref<10240x128xf32, #tpu.memory_space<vmem_shared>> -> memref<16x128xf32, #tpu.memory_space<vmem_shared>>
        tpu.wait_dma2 semaphore(%run_scoped3A : memref<!tpu.dma_semaphore, #tpu.memory_space<semaphore_mem>>) src(%dma_wait3A_29 : memref<16x128xf32, #tpu.memory_space<vmem_shared>>) dst(%dma_wait3A_26 : memref<16x128xf32, #tpu.memory_space<hbm>>)
        tpu.yield
      }) : () -> ()
    } else {
    }
    return
  }
}

module attributes {stable_mosaic.version = 14 : i64} {
  func.func @_mm_body(%arg0: i32, %arg1: memref<1000x128xf32, #tpu.memory_space<vmem>>, %arg2: memref<128x128xf32, #tpu.memory_space<vmem>>, %arg3: memref<1000x128xf32, #tpu.memory_space<vmem>>) attributes {dimension_semantics = [#tpu.dimension_semantics<arbitrary>], iteration_bounds = array<i64: 10>, scalar_prefetch = 0 : i64, scratch_operands = 0 : i64, tpu.core_type = #tpu.core_type<tc>, window_params = [{transform_indices = @transform_0, window_bounds = array<i64: 1000, 128>}, {pipeline_mode = #tpu.pipeline_mode<synchronous>, transform_indices = @transform_1, window_bounds = array<i64: 128, 128>}, {transform_indices = @transform_2, window_bounds = array<i64: 1000, 128>}]} {
    %get3A = arith.constant 0 : index
    %get3A_0 = arith.constant 0 : index
    %get3A_1 = vector.load %arg1[%get3A, %get3A_0] : memref<1000x128xf32, #tpu.memory_space<vmem>>, vector<1000x128xf32>
    %get3A_2 = arith.constant 0 : index
    %get3A_3 = arith.constant 0 : index
    %get3A_4 = vector.load %arg2[%get3A_2, %get3A_3] : memref<128x128xf32, #tpu.memory_space<vmem>>, vector<128x128xf32>
    %dot_general3A = arith.constant dense<0.000000e+00> : vector<1000x128xf32>
    %dot_general3A_5 = tpu.matmul %get3A_1, %get3A_4, %dot_general3A {dimension_numbers = #tpu.dot_dimension_numbers<[1], [0], [0], [1], [0, 0, 1, 1], [], []>, transpose_lhs_hint = false} : vector<1000x128xf32>, vector<128x128xf32>, vector<1000x128xf32> -> vector<1000x128xf32>
    %swap3A = arith.constant 0 : index
    %swap3A_6 = arith.constant 0 : index
    %swap3A_7 = vector.load %arg3[%swap3A, %swap3A_6] : memref<1000x128xf32, #tpu.memory_space<vmem>>, vector<1000x128xf32>
    tpu.vector_store %arg3[%swap3A, %swap3A_6], %dot_general3A_5 {strides = array<i32>} : memref<1000x128xf32, #tpu.memory_space<vmem>>, vector<1000x128xf32>,
    return
  }
  func.func @transform_0(%arg0: i32) -> (i32, i32) {
    %c0_i32 = arith.constant 0 : i32
    %c0_i32_0 = arith.constant 0 : i32
    return %arg0, %c0_i32 : i32, i32
  }
  func.func @transform_1(%arg0: i32) -> (i32, i32) {
    %c0_i32 = arith.constant 0 : i32
    %c0_i32_0 = arith.constant 0 : i32
    %c0_i32_1 = arith.constant 0 : i32
    return %c0_i32, %c0_i32_0 : i32, i32
  }
  func.func @transform_2(%arg0: i32) -> (i32, i32) {
    %c0_i32 = arith.constant 0 : i32
    %c0_i32_0 = arith.constant 0 : i32
    return %arg0, %c0_i32 : i32, i32
  }
}

module attributes {stable_mosaic.version = 14 : i64} {
  func.func @_mid_body(%arg0: i32, %arg1: memref<1000x128xf32, #tpu.memory_space<vmem>>, %arg2: memref<1000x128xf32, #tpu.memory_space<vmem>>, %arg3: memref<1x128xf32, #tpu.memory_space<vmem>>, %arg4: memref<128x128xf32, #tpu.memory_space<vmem>>, %arg5: memref<1000x128xf32, #tpu.memory_space<vmem>>) attributes {dimension_semantics = [#tpu.dimension_semantics<arbitrary>], iteration_bounds = array<i64: 10>, scalar_prefetch = 0 : i64, scratch_operands = 0 : i64, tpu.core_type = #tpu.core_type<tc>, window_params = [{transform_indices = @transform_0, window_bounds = array<i64: 1000, 128>}, {transform_indices = @transform_1, window_bounds = array<i64: 1000, 128>}, {pipeline_mode = #tpu.pipeline_mode<synchronous>, transform_indices = @transform_2, window_bounds = array<i64: 1, 128>}, {pipeline_mode = #tpu.pipeline_mode<synchronous>, transform_indices = @transform_3, window_bounds = array<i64: 128, 128>}, {transform_indices = @transform_4, window_bounds = array<i64: 1000, 128>}]} {
    %get3A = arith.constant 0 : index
    %get3A_0 = arith.constant 0 : index
    %get3A_1 = vector.load %arg1[%get3A, %get3A_0] : memref<1000x128xf32, #tpu.memory_space<vmem>>, vector<1000x128xf32>
    %get3A_2 = arith.constant 0 : index
    %get3A_3 = arith.constant 0 : index
    %get3A_4 = vector.load %arg2[%get3A_2, %get3A_3] : memref<1000x128xf32, #tpu.memory_space<vmem>>, vector<1000x128xf32>
    %add3A = arith.addf %get3A_1, %get3A_4 : vector<1000x128xf32>
    %get3A_5 = arith.constant 0 : index
    %get3A_6 = arith.constant 0 : index
    %get3A_7 = vector.load %arg3[%get3A_5, %get3A_6] : memref<1x128xf32, #tpu.memory_space<vmem>>, vector<1x128xf32>
    %add3A_8 = vector.broadcast %get3A_7 : vector<1x128xf32> to vector<1000x128xf32>
    %add3A_9 = arith.addf %add3A, %add3A_8 : vector<1000x128xf32>
    %max3A = arith.constant 0.000000e+00 : f32
    %max3A_10 = vector.broadcast %max3A : f32 to vector<1000x128xf32>
    %max3A_11 = arith.maximumf %add3A_9, %max3A_10 : vector<1000x128xf32>
    %get3A_12 = arith.constant 0 : index
    %get3A_13 = arith.constant 0 : index
    %get3A_14 = vector.load %arg4[%get3A_12, %get3A_13] : memref<128x128xf32, #tpu.memory_space<vmem>>, vector<128x128xf32>
    %dot_general3A = arith.constant dense<0.000000e+00> : vector<1000x128xf32>
    %dot_general3A_15 = tpu.matmul %max3A_11, %get3A_14, %dot_general3A {dimension_numbers = #tpu.dot_dimension_numbers<[1], [0], [0], [1], [0, 0, 1, 1], [], []>, transpose_lhs_hint = false} : vector<1000x128xf32>, vector<128x128xf32>, vector<1000x128xf32> -> vector<1000x128xf32>
    %swap3A = arith.constant 0 : index
    %swap3A_16 = arith.constant 0 : index
    %swap3A_17 = vector.load %arg5[%swap3A, %swap3A_16] : memref<1000x128xf32, #tpu.memory_space<vmem>>, vector<1000x128xf32>
    tpu.vector_store %arg5[%swap3A, %swap3A_16], %dot_general3A_15 {strides = array<i32>} : memref<1000x128xf32, #tpu.memory_space<vmem>>, vector<1000x128xf32>,
    return
  }
  func.func @transform_0(%arg0: i32) -> (i32, i32) {
    %c0_i32 = arith.constant 0 : i32
    %c0_i32_0 = arith.constant 0 : i32
    return %arg0, %c0_i32 : i32, i32
  }
  func.func @transform_1(%arg0: i32) -> (i32, i32) {
    %add3A = arith.constant 10 : i32
    %add3A_0 = arith.addi %arg0, %add3A : i32
    %c0_i32 = arith.constant 0 : i32
    %c0_i32_1 = arith.constant 0 : i32
    return %add3A_0, %c0_i32 : i32, i32
  }
  func.func @transform_2(%arg0: i32) -> (i32, i32) {
    %c0_i32 = arith.constant 0 : i32
    %c0_i32_0 = arith.constant 0 : i32
    %c0_i32_1 = arith.constant 0 : i32
    return %c0_i32, %c0_i32_0 : i32, i32
  }
  func.func @transform_3(%arg0: i32) -> (i32, i32) {
    %c0_i32 = arith.constant 0 : i32
    %c0_i32_0 = arith.constant 0 : i32
    %c0_i32_1 = arith.constant 0 : i32
    return %c0_i32, %c0_i32_0 : i32, i32
  }
  func.func @transform_4(%arg0: i32) -> (i32, i32) {
    %c0_i32 = arith.constant 0 : i32
    %c0_i32_0 = arith.constant 0 : i32
    return %arg0, %c0_i32 : i32, i32
  }
}

module attributes {stable_mosaic.version = 14 : i64} {
  func.func @_fin_body(%arg0: i32, %arg1: memref<1000x128xf32, #tpu.memory_space<vmem>>, %arg2: memref<1000x128xf32, #tpu.memory_space<vmem>>, %arg3: memref<1x128xf32, #tpu.memory_space<vmem>>, %arg4: memref<1000x128xf32, #tpu.memory_space<vmem>>) attributes {dimension_semantics = [#tpu.dimension_semantics<arbitrary>], iteration_bounds = array<i64: 10>, scalar_prefetch = 0 : i64, scratch_operands = 0 : i64, tpu.core_type = #tpu.core_type<tc>, window_params = [{transform_indices = @transform_0, window_bounds = array<i64: 1000, 128>}, {transform_indices = @transform_1, window_bounds = array<i64: 1000, 128>}, {pipeline_mode = #tpu.pipeline_mode<synchronous>, transform_indices = @transform_2, window_bounds = array<i64: 1, 128>}, {transform_indices = @transform_3, window_bounds = array<i64: 1000, 128>}]} {
    %get3A = arith.constant 0 : index
    %get3A_0 = arith.constant 0 : index
    %get3A_1 = vector.load %arg1[%get3A, %get3A_0] : memref<1000x128xf32, #tpu.memory_space<vmem>>, vector<1000x128xf32>
    %get3A_2 = arith.constant 0 : index
    %get3A_3 = arith.constant 0 : index
    %get3A_4 = vector.load %arg2[%get3A_2, %get3A_3] : memref<1000x128xf32, #tpu.memory_space<vmem>>, vector<1000x128xf32>
    %add3A = arith.addf %get3A_1, %get3A_4 : vector<1000x128xf32>
    %get3A_5 = arith.constant 0 : index
    %get3A_6 = arith.constant 0 : index
    %get3A_7 = vector.load %arg3[%get3A_5, %get3A_6] : memref<1x128xf32, #tpu.memory_space<vmem>>, vector<1x128xf32>
    %add3A_8 = vector.broadcast %get3A_7 : vector<1x128xf32> to vector<1000x128xf32>
    %add3A_9 = arith.addf %add3A, %add3A_8 : vector<1000x128xf32>
    %max3A = arith.constant 0.000000e+00 : f32
    %max3A_10 = vector.broadcast %max3A : f32 to vector<1000x128xf32>
    %max3A_11 = arith.maximumf %add3A_9, %max3A_10 : vector<1000x128xf32>
    %swap3A = arith.constant 0 : index
    %swap3A_12 = arith.constant 0 : index
    %swap3A_13 = vector.load %arg4[%swap3A, %swap3A_12] : memref<1000x128xf32, #tpu.memory_space<vmem>>, vector<1000x128xf32>
    tpu.vector_store %arg4[%swap3A, %swap3A_12], %max3A_11 {strides = array<i32>} : memref<1000x128xf32, #tpu.memory_space<vmem>>, vector<1000x128xf32>,
    return
  }
  func.func @transform_0(%arg0: i32) -> (i32, i32) {
    %c0_i32 = arith.constant 0 : i32
    %c0_i32_0 = arith.constant 0 : i32
    return %arg0, %c0_i32 : i32, i32
  }
  func.func @transform_1(%arg0: i32) -> (i32, i32) {
    %add3A = arith.constant 10 : i32
    %add3A_0 = arith.addi %arg0, %add3A : i32
    %c0_i32 = arith.constant 0 : i32
    %c0_i32_1 = arith.constant 0 : i32
    return %add3A_0, %c0_i32 : i32, i32
  }
  func.func @transform_2(%arg0: i32) -> (i32, i32) {
    %c0_i32 = arith.constant 0 : i32
    %c0_i32_0 = arith.constant 0 : i32
    %c0_i32_1 = arith.constant 0 : i32
    return %c0_i32, %c0_i32_0 : i32, i32
  }
  func.func @transform_3(%arg0: i32) -> (i32, i32) {
    %c0_i32 = arith.constant 0 : i32
    %c0_i32_0 = arith.constant 0 : i32
    return %arg0, %c0_i32 : i32, i32
  }
}

</mosaic_0001>

<sc_bundles>
// kernel: kernel.10.cloned.1.call-start
scs
__scs_entry_jumppad:
0x0: {  	(pc) =	sbr.rel $0x88, $3  }
0x1: {  	(tag) =	ssettag $0x0;
	lr =	simm.s32 $0x1  }
0x2: {  	[smem:$0x3F9B] =	sst lr;
	_ =	strace $0xD0000000  }
0x3: {  	_ = 	snop  }
0x4: {  	_ = 	snop  }
0x5: {  	_ = 	snop  }
0x6: {  	_ = 	snop  }
0x7: {  	_ = 	snop  }
__scs_overlays_trampoline_lowered:
0x8: {  	[smem:$0x3FAA] =	sst s0  }
0x9: {  	[smem:$0x3FAB] =	sst s1  }
0xa: {  	[smem:$0x3FAC] =	sst s2  }
0xb: {  	[smem:$0x3FAD] =	sst s3  }
0xc: {  	[smem:$0x3FAE] =	sst s4  }
0xd: {  	[smem:$0x3FAF] =	sst s5  }
0xe: {  	[smem:$0x3FB0] =	sst s6  }
0xf: {  	[smem:$0x3FB1] =	sst s7  }
0x10: {  	[smem:$0x3FB2] =	sst s8  }
0x11: {  	[smem:$0x3FB3] =	sst s9;
	s0 =	simm.s32 @!p0 $0x0  }
0x12: {  	s1 =	sld [smem:$0x3F99];
	s0 =	simm.s32 @p0 $0x1  }
0x13: {  	[smem:$0x3FB4] =	sst s0;
	s0 =	simm.s32 @!p1 $0x0  }
0x14: {  	s2 =	sld [smem:$0x3F98];
	s0 =	simm.s32 @p1 $0x1  }
0x15: {  	[smem:$0x3FB5] =	sst s0;
	s0 =	simm.s32 @!p2 $0x0  }
0x16: {  	s3 =	sld [smem:$0x3FDB];
	s0 =	simm.s32 @p2 $0x1  }
0x17: {  	s4 =	simm.s32 $0x1BF5;
	[smem:$0x3FB7] =	sst s0  }
0x18: {  	s0 =	sld [smem:$0x3F9A];
	_ =	swait.ge [sflag:s4], $0x0  }
0x19: {  	s7 =	sld [smem:$0x3F9B]  }
0x1a: {  	s8 =	sadd.s32 $0xFFFFE003, lr  }
0x1b: {  	s9 =	sadd.s32 $0xFFFFFEF7, lr;
	s5 =	simm.s32 $0xFFFFFFFF;
	p2 =	slt.u32 s8, $0xFFFFF086  }
0x1c: {  	p1 =	slt.u32 s9, $0xF7A;
	s5 =	simm.s32 @!p2 $0x0  }
0x1d: {  	s5 =	simm.s32 @p1 $0x1;
	p0 =	seq.s32 s7, s2  }
0x1e: {  	s7 =	smul.u32 @!p0 $0xF7A, s2;
	p2 =	seq.s32 @!p0 s5, $0x0  }
0x1f: {  	s9 =	smul.u32 $0xF7A, s1;
	s8 =	simm.s32 @!p0 $0x1BF5;
	p2 =	por !p2, p0  }
0x20: {  	[sflag:s8] =	ssyncset.s32 @!p0 $0xFFFFF086;
	s6 =	sadd.s32 @!p0 s3, s7;
	s7 =	simm.s32 @!p0 $0x108  }
0x21: {  	s3 =	sadd.s32 s3, s9;
	s6 =	sadd.s32 @!p0 $0x88, s6;
	s7 =	simm.s32 @p2 $0x1082  }
0x22: {  	[simem:s7], [sflag:s8] =	dma.local @!p0 [hbm:s6], $0xF7A  }
0x23: {  	s9 =	sor.u32 $0xD0000000, s2;
	s6 =	simm.s32 $0x108;
	_ =	swait.ge @!p0 [sflag:s8], $0x0  }
0x24: {  	s3 =	sadd.s32 $0x88, s3;
	s6 =	simm.s32 @!p1 $0x1082;
	[sflag:s4] =	ssyncset.s32 $0xFFFFF086  }
0x25: {  	[simem:s6], [sflag:s4] =	dma.local [hbm:s3], $0xF7A  }
0x26: {  	[smem:$0x3F9B] =	sst s1;
	(tag) =	ssettag s2;
	_ =	strace s9  }
0x27: {  	s1 =	sld [smem:$0x3FAB]  }
0x28: {  	s2 =	sld [smem:$0x3FAC]  }
0x29: {  	s4 =	sld [smem:$0x3FAE]  }
0x2a: {  	p0 =	seq.s32 s5, $0x0;
	s5 =	sld [smem:$0x3FAF]  }
0x2b: {  	s6 =	sld [smem:$0x3FB0]  }
0x2c: {  	s7 =	sld [smem:$0x3FB1]  }
0x2d: {  	s3 =	simm.s32 $0x108;
	s8 =	sld [smem:$0x3FB2]  }
0x2e: {  	s3 =	simm.s32 @!p0 $0x1082;
	s9 =	sld [smem:$0x3FB3]  }
0x2f: {  	lr =	sadd.s32 s0, s3;
	s0 =	sld [smem:$0x3FAA]  }
0x30: {  	s3 =	sld [smem:$0x3FAD]  }
0x31: {  	[smem:$0x3FB6] =	sst s10  }
0x32: {  	s10 =	sld [smem:$0x3FB4];
	_ =	sdelay $0x3  }
0x33: {  	p0 =	seq.s32 s10, $0x1;
	s10 =	sld [smem:$0x3FB6];
	_ =	sdelay $0x3  }
0x34: {  	[smem:$0x3FB6] =	sst s10  }
0x35: {  	s10 =	sld [smem:$0x3FB5];
	_ =	sdelay $0x3  }
0x36: {  	p1 =	seq.s32 s10, $0x1;
	s10 =	sld [smem:$0x3FB6];
	_ =	sdelay $0x3  }
0x37: {  	[smem:$0x3FB6] =	sst s10  }
0x38: {  	s10 =	sld [smem:$0x3FB7]  }
0x39: {  	_ = 	snop;
	(pc) =	sbr.ind lr, $3  }
0x3a: {  	_ = 	snop  }
0x3b: {  	_ = 	snop  }
0x3c: {  	p2 =	seq.s32 s10, $0x1;
	s10 =	sld [smem:$0x3FB6]  }
0x3d: {  	_ =	shalt  }
0x3e: {  	_ =	shalt  }
0x3f: {  	_ =	shalt  }
0x40: {  	_ =	shalt  }
0x41: {  	_ =	shalt  }
0x42: {  	_ =	shalt  }
0x43: {  	_ =	shalt  }
0x44: {  	_ =	shalt  }
0x45: {  	_ =	shalt  }
0x46: {  	_ =	shalt  }
0x47: {  	_ =	shalt  }
0x48: {  	_ =	shalt  }
0x49: {  	_ =	shalt  }
0x4a: {  	_ =	shalt  }
0x4b: {  	_ =	shalt  }
0x4c: {  	_ =	shalt  }
0x4d: {  	_ =	shalt  }
0x4e: {  	_ =	shalt  }
0x4f: {  	_ =	shalt  }
0x50: {  	_ =	shalt  }
0x51: {  	_ =	shalt  }
0x52: {  	_ =	shalt  }
0x53: {  	_ =	shalt  }
0x54: {  	_ =	shalt  }
0x55: {  	_ =	shalt  }
0x56: {  	_ =	shalt  }
0x57: {  	_ =	shalt  }
0x58: {  	_ =	shalt  }
0x59: {  	_ =	shalt  }
0x5a: {  	_ =	shalt  }
0x5b: {  	_ =	shalt  }
0x5c: {  	_ =	shalt  }
0x5d: {  	_ =	shalt  }
0x5e: {  	_ =	shalt  }
0x5f: {  	_ =	shalt  }
0x60: {  	_ =	shalt  }
0x61: {  	_ =	shalt  }
0x62: {  	_ =	shalt  }
0x63: {  	_ =	shalt  }
0x64: {  	_ =	shalt  }
0x65: {  	_ =	shalt  }
0x66: {  	_ =	shalt  }
0x67: {  	_ =	shalt  }
0x68: {  	_ =	shalt  }
0x69: {  	_ =	shalt  }
0x6a: {  	_ =	shalt  }
0x6b: {  	_ =	shalt  }
0x6c: {  	_ =	shalt  }
0x6d: {  	_ =	shalt  }
0x6e: {  	_ =	shalt  }
0x6f: {  	_ =	shalt  }
0x70: {  	_ =	shalt  }
0x71: {  	_ =	shalt  }
0x72: {  	_ =	shalt  }
0x73: {  	_ =	shalt  }
0x74: {  	_ =	shalt  }
0x75: {  	_ =	shalt  }
0x76: {  	_ =	shalt  }
0x77: {  	_ =	shalt  }
0x78: {  	_ =	shalt  }
0x79: {  	_ =	shalt  }
0x7a: {  	_ =	shalt  }
0x7b: {  	_ =	shalt  }
0x7c: {  	_ =	shalt  }
0x7d: {  	_ =	shalt  }
0x7e: {  	_ =	shalt  }
0x7f: {  	_ =	shalt  }
0x80: {  	_ =	shalt  }
0x81: {  	_ =	shalt  }
0x82: {  	_ =	shalt  }
0x83: {  	_ =	shalt  }
0x84: {  	_ =	shalt  }
0x85: {  	_ =	shalt  }
0x86: {  	_ =	shalt  }
0x87: {  	_ =	shalt  }
.Lfunc_end0:
.L_simem_size_0:
called_computation.1_lowered:
.L_overlay_start_0:
0x88: {  	s2 =	sld [smem:$0x3FD9]  }
0x89: {  	s3 =	sld [smem:$0x3FFE];
	_ =	sdelay $0x1  }
0x8a: {  	s1 =	srdreg.scid  }
0x8b: {  	s0 =	sand.u32 $0x1, s1  }
0x8c: {  	s17 =	sshll.u32 s0, $0xA;
	s2 =	sadd.s32 s3, s2  }
0x8d: {  	s2 =	sadd.s32 s2, s17  }
0x8e: {  	[smem:$0x3FC2] =	sst s2  }
0x8f: {  	_ = 	snop  }
0x90: {  	s2 =	sld [smem:$0x3FD0];
	(tm) =	ssettm $0x1  }
0x91: {  	s18 =	sld [smem:$0x3FFB];
	_ =	sdelay $0x3  }
0x92: {  	_ =	strace s18  }
0x93: {  	s3 =	sld [smem:$0x3FFC];
	_ =	sdelay $0x3  }
0x94: {  	_ =	strace s3  }
0x95: {  	s3 =	sld [smem:$0x3FFD];
	_ =	sdelay $0x3  }
0x96: {  	_ =	strace s3  }
0x97: {  	_ =	strace $0x8FFFFFFF  }
0x98: {  	s19 =	sld [smem:$0x3FDB];
	_ =	sdelay $0x1  }
0x99: {  	s4 =	simm.s32 $_scs_section_size  }
0x9a: {  	s5 =	simm.s32 $_size__tile_overlayer_lowered;
	s6 =	simm.s32 $_tile_overlayer_lowered  }
0x9b: {  	s22 =	simm.s32 $0x1BFF;
	s21 =	sshll.u32 s6, $0x1;
	s3 =	sadd.s32 s4, s19  }
0x9c: {  	s7 =	simm.s32 $0x0;
	s20 =	sshll.u32 s5, $0x1;
	s5 =	sadd.s32 s21, s3  }
0x9d: {  	[timem:s7], [sflag:s22] =	dma.local [hbm:s5], s20  }
0x9e: {  	_ =	swait.ge [sflag:s22], s20  }
0x9f: {  	s4 =	ssub.s32 $0x0, s20;
	[sflag:s22] =	ssyncset.done $0x0  }
0xa0: {  	[sflag:s22] =	ssyncadd.s32 s4;
	_ =	sdelay $0x1  }
0xa1: {  	s23 =	simm.s32 $0x1B8B  }
0xa2: {  	_ =	swait.ge [sflag:s23], $0x1  }
0xa3: {  	[sflag:s23] =	ssyncset.done $0x0  }
0xa4: {  	s25 =	simm.s32 $0x1B8E;
	s24 =	sld [smem:$0x3FFE];
	[sflag:s23] =	ssyncadd.s32 $0xFFFFFFFF  }
0xa5: {  	s26 =	simm.s32 $execute0_lowered;
	[smem:$0x3FD2] =	sst s25  }
0xa6: {  	s5 =	sshll.u32 s26, $0x1;
	_ =	strace $0x80000049;
	[dreg:$0x1] =	wrdreg $0xFFFFFFFF  }
0xa7: {  	s28 =	simm.s32 $_size_execute0_lowered;
	s3 =	sadd.s32 s3, s5;
	[dreg:$0x0] =	wrdreg $0x0  }
0xa8: {  	s5 =	sshll.u32 s28, $0x1;
	[dreg:$0x2] =	wrdreg s3  }
0xa9: {  	[dreg:$0x3] =	wrdreg s5  }
0xaa: {  	[dreg:$0x4] =	wrdreg $0xC0  }
0xab: {  	_ =	task [dreg:s7], $0x5FFFF  }
0xac: {  	[dreg:$0x1] =	wrdreg $0xFFFFFFFF  }
0xad: {  	[dreg:$0x0] =	wrdreg $0x60  }
0xae: {  	[dreg:$0x2] =	wrdreg s2  }
0xaf: {  	[dreg:$0x3] =	wrdreg s24  }
0xb0: {  	[dreg:$0x4] =	wrdreg $0x90000  }
0xb1: {  	[dreg:$0x5] =	wrdreg $0x9  }
0xb2: {  	_ =	task.clear_ibuf [dreg:s7], $0x6FFFF;
	_ =	strace $0x90000049  }
0xb3: {  	s29 =	simm.s32 $0x9;
	_ =	strace $0x8000004B  }
0xb4: {  	_ =	swait.ge [sflag:s29], $0x1  }
0xb5: {  	[sflag:s29] =	ssyncadd.s32 $0xFFFFFFFF  }
0xb6: {  	_ =	strace $0x9000004B  }
0xb7: {  	_ =	sfence  }
0xb8: {  	s30 =	sld [smem:$0x0];
	_ =	sdelay $0x2  }
0xb9: {  	s31 =	sshll.u32 s1, $0xD;
	s1 =	sshrl.u32 s1, $0x2  }
0xba: {  	s3 =	sand.u32 $0x4000, s31;
	s1 =	sadd.s32 s1, s30  }
0xbb: {  	s0 =	sor.u32 s3, s0;
	s1 =	sshll.u32 s1, $0x11  }
0xbc: {  	s0 =	sor.u32 s1, s0  }
0xbd: {  	s0 =	sadd.s32 $0x8F2B, s0  }
0xbe: {  	[sflag:s0] =	ssyncadd.remote.s32 $0x1  }
0xbf: {  	_ =	sfence.sel $0xFFFF  }
0xc0: {  	[dreg:$0x0] =	wrdreg $0xFFFFFFFF;
	(pc) =	sbr.abs _section_cstart, $3  }
0xc1: {  	[dreg:$0x1] =	wrdreg $0xFFFFFFFF  }
0xc2: {  	_ =	task.clear_ibuf [dreg:s7], $0x2FFFF;
	_ =	strace $0x9FFFFFFF  }
0xc3: {  	(tm) =	ssettm $0x7FFFFFFF  }
tec
execute0_lowered:
.L_overlay_start_1:
0x0: {  	(tag) =	ssettag $0x1  }
0x1: {  	s0 =	rddreg [dreg:$0x0]  }
0x2: {  	s6 =	rddreg [dreg:$0x1]  }
0x3: {  	s1 =	srdreg.scid;
	s3 =	rddreg [dreg:$0x2]  }
0x4: {  	s2 =	stileid.u32;
	s4 =	simm.s32 $0x0;
	s16 =	simm.s32 $0x5000  }
0x5: {  	s17 =	simm.s32 $0x1;
	s7 =	sand.u32 $0x1, s1;
	s1 =	rddreg [dreg:$0x3]  }
0x6: {  	s20 =	simm.s32 $0x0;
	[smem:$0x7FF] =	sst s4;
	s10 =	smul.u32 $0x50000, s2  }
0x7: {  	s12 =	smul.u32 $0x4E000, s2;
	s13 =	sadd.s32 $0x17A00, s6;
	s30 =	sshll.u32 s2, $0x6  }
0x8: {  	s14 =	smul.u32 $0x2700, s2;
	s19 =	sadd.s32 $0x138000, s3;
	p0 =	sne.s32 s2, $0xF  }
0x9: {  	s5 =	sshll.u32 s7, $0x4;
	_ =	strace $0x8000004A;
	s28 =	smul.u32 $0x27100, s7  }
0xa: {  	s9 =	ssub.s32 $0x2, s7;
	s31 =	smul.u32 $0x138800, s7;
	s19 =	sshrl.u32 @!p0 s19, $0x3  }
0xb: {  	s5 =	sor.u32 s2, s5;
	s11 =	sshrl.u32 s9, $0x1;
	s29 =	sshrl.u32 s10, $0x2  }
0xc: {  	s12 =	sshrl.u32 s12, $0x2;
	s5 =	smul.u32 $0x500, s5;
	s11 =	ssub.s32 s9, s11  }
0xd: {  	s15 =	sadd.s32 s29, s3;
	s18 =	sadd.s32 s12, s3;
	s9 =	sadd.s32 s14, s28  }
0xe: {  	s10 =	sshrl.u32 s31, $0x3;
	s14 =	simm.s32 $0x2800;
	s9 =	sadd.s32 s13, s9  }
0xf: {  	s10 =	sadd.s32 s13, s10;
	s11 =	smax.u32 s11, $0x1;
	s12 =	sshrl.u32 s15, $0x3  }
0x10: {  	s13 =	simm.s32 $0x2;
	s15 =	simm.s32 $0x80;
	s18 =	sshrl.u32 s18, $0x3  }
0x11: {  	s8 =	sadd.s32 s5, s6;
	s5 =	sadd.s32 $0x15200, s6;
	s6 =	sor.u32 $0x1C02, s30  }
0x12: {  	s10 =	sadd.s32 $0x27000, s10;
	s7 =	sadd.s32 $0xB200, s8;
	s8 =	sadd.s32 $0x1200, s8  }
.LBB2_1:
0x13: {  	[spmem:s12], [sflag:s6] =	dma.local [hbm:s5], $0x2800  }
0x14: {  	_ =	swait.ge [sflag:s13], $0x2800  }
0x15: {  	[sflag:s13] =	ssyncset.done $0x0  }
0x16: {  	[sflag:s13] =	ssyncadd.s32 $0xFFFFD800  }
0x17: {  	[tilespmem:s4], [sflag:$0x2] =	stream.linear.gather [hbm4b:s7+s4], $0x2800, $0x38;
	[tilespmem:$0x1D000] =	vst v63  }
0x18: {  	_ =	swait.ge [sflag:s13], $0x2800  }
0x19: {  	[sflag:s13] =	ssyncset.done $0x0  }
0x1a: {  	[sflag:s13] =	ssyncadd.s32 $0xFFFFD800  }
0x1b: {  	[tilespmem:s14], [sflag:$0x2] =	stream.linear.gather [hbm4b:s8+s4], $0x2800, $0x38;
	[tilespmem:$0x1D000] =	vst v63  }
0x1c: {  	_ =	swait.ge [sflag:s13], $0x2800  }
0x1d: {  	[sflag:s13] =	ssyncset.done $0x0  }
0x1e: {  	[sflag:s13] =	ssyncadd.s32 $0xFFFFD800  }
0x1f: {  	s21 =	simm.s32 $0x0;
	[bflag:$0x0] =	sbarrier.arrive $0xFFFF  }
0x20: {  	[tilespmem:s16], [sflag:$0x1] =	stream.indirect.gather [hbm4b:s0+s15], $0x80, s21, s15, $0xb8;
	[tilespmem:$0x1D000] =	vst v63  }
0x21: {  	_ =	swait.ge [sflag:s17], $0x4000  }
0x22: {  	[sflag:s17] =	ssyncset.done $0x0  }
0x23: {  	s31 =	simm.s32 $0x2800;
	[sflag:s17] =	ssyncadd.s32 $0xFFFFC000  }
0x24: {  	[spmem:s3] =	stream.indirect.scatter.add.f32 [tilespmem:s16], [sflag:$0x2], $0x80, s31, s15, $0xb8;
	[tilespmem:$0x1D000] =	vst v63  }
0x25: {  	_ =	swait.ge [sflag:s13], $0x4000  }
0x26: {  	s22 =	simm.s32 $0x400;
	s21 =	simm.s32 $0x200;
	[sflag:s13] =	ssyncset.done $0x0  }
.LBB2_2:
0x27: {  	s23 =	sshra.s32 s21, $0x2  }
0x28: {  	[sflag:s13] =	ssyncadd.s32 $0xFFFFC000;
	s21 =	smov.u32 s22;
	s24 =	sadd.s32 $0x200, s22  }
0x29: {  	[tilespmem:s16], [sflag:$0x1] =	stream.indirect.gather [hbm4b:s0+s15], $0x80, s23, s15, $0xb8;
	[tilespmem:$0x1D000] =	vst v63  }
0x2a: {  	p1 =	sne.s32 s22, $0x9E00;
	_ =	swait.ge [sflag:s17], $0x4000  }
.Ltmp0:
0x2b: {  	[sflag:s17] =	ssyncset.done $0x0;
	(pc) =	sbr.rel @p1 .LBB2_2-.Ltmp0, $4  }
0x2c: {  	s22 =	sadd.s32 $0x2800, s23;
	[sflag:s17] =	ssyncadd.s32 $0xFFFFC000  }
0x2d: {  	[spmem:s3] =	stream.indirect.scatter.add.f32 [tilespmem:s16], [sflag:$0x2], $0x80, s22, s15, $0xb8;
	[tilespmem:$0x1D000] =	vst v63  }
0x2e: {  	_ =	swait.ge [sflag:s13], $0x4000  }
0x2f: {  	s22 =	smov.u32 s24;
	[sflag:s13] =	ssyncset.done $0x0  }
0x30: {  	s21 =	sshra.s32 s21, $0x2;
	[sflag:s13] =	ssyncadd.s32 $0xFFFFC000  }
0x31: {  	[tilespmem:s16], [sflag:$0x1] =	stream.indirect.gather [hbm4b:s0+s15], $0x80, s21, s15, $0xb8;
	[tilespmem:$0x1D000] =	vst v63  }
0x32: {  	_ =	swait.ge [sflag:s17], $0x4000  }
0x33: {  	[sflag:s17] =	ssyncset.done $0x0  }
0x34: {  	s21 =	sadd.s32 $0x2800, s21;
	[sflag:s17] =	ssyncadd.s32 $0xFFFFC000  }
0x35: {  	[spmem:s3] =	stream.indirect.scatter.add.f32 [tilespmem:s16], [sflag:$0x2], $0x80, s21, s15, $0xb8;
	[tilespmem:$0x1D000] =	vst v63  }
0x36: {  	_ =	swait.ge [sflag:s13], $0x4000  }
0x37: {  	[sflag:s13] =	ssyncset.done $0x0  }
0x38: {  	[sflag:s13] =	ssyncadd.s32 $0xFFFFC000  }
0x39: {  	[bflag:$0x0] =	sbarrier.arrive $0xFFFF  }
0x3a: {  	[hbm:s9], [sflag:s6] =	dma.local [spmem:s18], $0x2700  }
0x3b: {  	s20 =	sadd.s32 $0x1, s20;
	_ =	swait.ge [sflag:s13], $0x2700  }
0x3c: {  	p1 =	sne.s32 s20, s11;
	[sflag:s13] =	ssyncset.done $0x0  }
.Ltmp1:
0x3d: {  	s21 =	simm.s32 @!p0 $0x2;
	[sflag:s13] =	ssyncadd.s32 $0xFFFFD900;
	(pc) =	sbr.rel @p1 .LBB2_1-.Ltmp1, $4  }
0x3e: {  	[hbm:s10], [sflag:s6] =	dma.local @!p0 [spmem:s19], $0x100  }
0x3f: {  	_ =	swait.ge @!p0 [sflag:s21], $0x100  }
0x40: {  	[sflag:s21] =	ssyncset.done @!p0 $0x0  }
0x41: {  	[sflag:s21] =	ssyncadd.s32 @!p0 $0xFFFFFF00  }
0x42: {  	_ =	sfence.sel $0x180000  }
0x43: {  	[bflag:$0x0] =	sbarrier.arrive $0xFFFF  }
0x44: {  	p0 =	sne.s32 s2, $0x0;
	_ =	strace $0x9000004A  }
0x45: {  	s0 =	sadd.s32 @!p0 $0x100000, s1;
	[bflag:$0x2] =	sbarrier.arrive $0xFFFF  }
0x46: {  	[sflag:s0] =	ssyncadd.tile.s32 @!p0 $0x1;
	_ =	shalt  }
.Lfunc_end2:
_tile_overlayer_lowered:
.L_overlay_start_2:
0x47: {  	(tag) =	ssettag $0x2  }
0x48: {  	s0 =	rddreg [dreg:$0x0];
	s2 =	stileid.u32  }
0x49: {  	s1 =	rddreg [dreg:$0x1];
	p0 =	sne.s32 s2, $0x0  }
0x4a: {  	s3 =	rddreg [dreg:$0x2];
	[bflag:$0x3] =	sbarrier.arrive $0xFFFF;
	s2 =	simm.s32 @!p0 $0x1C02  }
0x4b: {  	[timem:s3], [sflag:s2] =	dma.local @!p0 [hbm:s0], s1  }
0x4c: {  	s0 =	simm.s32 @!p0 $0x2  }
0x4d: {  	_ =	swait.ge @!p0 [sflag:s0], s1  }
0x4e: {  	s1 =	ssub.s32 @!p0 $0x0, s1;
	[sflag:s0] =	ssyncset.done @!p0 $0x0  }
0x4f: {  	[sflag:s0] =	ssyncadd.s32 @!p0 s1  }
0x50: {  	[bflag:$0x3] =	sbarrier.arrive $0xFFFF  }
0x51: {  	_ =	shalt  }

// kernel: kernel.7.cloned.1.call-start
scs
__scs_entry_jumppad:
0x0: {  	(pc) =	sbr.rel $0x88, $3  }
0x1: {  	(tag) =	ssettag $0x0;
	lr =	simm.s32 $0x1  }
0x2: {  	[smem:$0x3F9B] =	sst lr;
	_ =	strace $0xD0000000  }
0x3: {  	_ = 	snop  }
0x4: {  	_ = 	snop  }
0x5: {  	_ = 	snop  }
0x6: {  	_ = 	snop  }
0x7: {  	_ = 	snop  }
__scs_overlays_trampoline_lowered:
0x8: {  	[smem:$0x3FAA] =	sst s0  }
0x9: {  	[smem:$0x3FAB] =	sst s1  }
0xa: {  	[smem:$0x3FAC] =	sst s2  }
0xb: {  	[smem:$0x3FAD] =	sst s3  }
0xc: {  	[smem:$0x3FAE] =	sst s4  }
0xd: {  	[smem:$0x3FAF] =	sst s5  }
0xe: {  	[smem:$0x3FB0] =	sst s6  }
0xf: {  	[smem:$0x3FB1] =	sst s7  }
0x10: {  	[smem:$0x3FB2] =	sst s8  }
0x11: {  	[smem:$0x3FB3] =	sst s9;
	s0 =	simm.s32 @!p0 $0x0  }
0x12: {  	s1 =	sld [smem:$0x3F99];
	s0 =	simm.s32 @p0 $0x1  }
0x13: {  	[smem:$0x3FB4] =	sst s0;
	s0 =	simm.s32 @!p1 $0x0  }
0x14: {  	s2 =	sld [smem:$0x3F98];
	s0 =	simm.s32 @p1 $0x1  }
0x15: {  	[smem:$0x3FB5] =	sst s0;
	s0 =	simm.s32 @!p2 $0x0  }
0x16: {  	s3 =	sld [smem:$0x3FDB];
	s0 =	simm.s32 @p2 $0x1  }
0x17: {  	s4 =	simm.s32 $0x1BF5;
	[smem:$0x3FB7] =	sst s0  }
0x18: {  	s0 =	sld [smem:$0x3F9A];
	_ =	swait.ge [sflag:s4], $0x0  }
0x19: {  	s7 =	sld [smem:$0x3F9B]  }
0x1a: {  	s8 =	sadd.s32 $0xFFFFE003, lr  }
0x1b: {  	s9 =	sadd.s32 $0xFFFFFEF7, lr;
	s5 =	simm.s32 $0xFFFFFFFF;
	p2 =	slt.u32 s8, $0xFFFFF086  }
0x1c: {  	p1 =	slt.u32 s9, $0xF7A;
	s5 =	simm.s32 @!p2 $0x0  }
0x1d: {  	s5 =	simm.s32 @p1 $0x1;
	p0 =	seq.s32 s7, s2  }
0x1e: {  	s7 =	smul.u32 @!p0 $0xF7A, s2;
	p2 =	seq.s32 @!p0 s5, $0x0  }
0x1f: {  	s9 =	smul.u32 $0xF7A, s1;
	s8 =	simm.s32 @!p0 $0x1BF5;
	p2 =	por !p2, p0  }
0x20: {  	[sflag:s8] =	ssyncset.s32 @!p0 $0xFFFFF086;
	s6 =	sadd.s32 @!p0 s3, s7;
	s7 =	simm.s32 @!p0 $0x108  }
0x21: {  	s3 =	sadd.s32 s3, s9;
	s6 =	sadd.s32 @!p0 $0x88, s6;
	s7 =	simm.s32 @p2 $0x1082  }
0x22: {  	[simem:s7], [sflag:s8] =	dma.local @!p0 [hbm:s6], $0xF7A  }
0x23: {  	s9 =	sor.u32 $0xD0000000, s2;
	s6 =	simm.s32 $0x108;
	_ =	swait.ge @!p0 [sflag:s8], $0x0  }
0x24: {  	s3 =	sadd.s32 $0x88, s3;
	s6 =	simm.s32 @!p1 $0x1082;
	[sflag:s4] =	ssyncset.s32 $0xFFFFF086  }
0x25: {  	[simem:s6], [sflag:s4] =	dma.local [hbm:s3], $0xF7A  }
0x26: {  	[smem:$0x3F9B] =	sst s1;
	(tag) =	ssettag s2;
	_ =	strace s9  }
0x27: {  	s1 =	sld [smem:$0x3FAB]  }
0x28: {  	s2 =	sld [smem:$0x3FAC]  }
0x29: {  	s4 =	sld [smem:$0x3FAE]  }
0x2a: {  	p0 =	seq.s32 s5, $0x0;
	s5 =	sld [smem:$0x3FAF]  }
0x2b: {  	s6 =	sld [smem:$0x3FB0]  }
0x2c: {  	s7 =	sld [smem:$0x3FB1]  }
0x2d: {  	s3 =	simm.s32 $0x108;
	s8 =	sld [smem:$0x3FB2]  }
0x2e: {  	s3 =	simm.s32 @!p0 $0x1082;
	s9 =	sld [smem:$0x3FB3]  }
0x2f: {  	lr =	sadd.s32 s0, s3;
	s0 =	sld [smem:$0x3FAA]  }
0x30: {  	s3 =	sld [smem:$0x3FAD]  }
0x31: {  	[smem:$0x3FB6] =	sst s10  }
0x32: {  	s10 =	sld [smem:$0x3FB4];
	_ =	sdelay $0x3  }
0x33: {  	p0 =	seq.s32 s10, $0x1;
	s10 =	sld [smem:$0x3FB6];
	_ =	sdelay $0x3  }
0x34: {  	[smem:$0x3FB6] =	sst s10  }
0x35: {  	s10 =	sld [smem:$0x3FB5];
	_ =	sdelay $0x3  }
0x36: {  	p1 =	seq.s32 s10, $0x1;
	s10 =	sld [smem:$0x3FB6];
	_ =	sdelay $0x3  }
0x37: {  	[smem:$0x3FB6] =	sst s10  }
0x38: {  	s10 =	sld [smem:$0x3FB7]  }
0x39: {  	_ = 	snop;
	(pc) =	sbr.ind lr, $3  }
0x3a: {  	_ = 	snop  }
0x3b: {  	_ = 	snop  }
0x3c: {  	p2 =	seq.s32 s10, $0x1;
	s10 =	sld [smem:$0x3FB6]  }
0x3d: {  	_ =	shalt  }
0x3e: {  	_ =	shalt  }
0x3f: {  	_ =	shalt  }
0x40: {  	_ =	shalt  }
0x41: {  	_ =	shalt  }
0x42: {  	_ =	shalt  }
0x43: {  	_ =	shalt  }
0x44: {  	_ =	shalt  }
0x45: {  	_ =	shalt  }
0x46: {  	_ =	shalt  }
0x47: {  	_ =	shalt  }
0x48: {  	_ =	shalt  }
0x49: {  	_ =	shalt  }
0x4a: {  	_ =	shalt  }
0x4b: {  	_ =	shalt  }
0x4c: {  	_ =	shalt  }
0x4d: {  	_ =	shalt  }
0x4e: {  	_ =	shalt  }
0x4f: {  	_ =	shalt  }
0x50: {  	_ =	shalt  }
0x51: {  	_ =	shalt  }
0x52: {  	_ =	shalt  }
0x53: {  	_ =	shalt  }
0x54: {  	_ =	shalt  }
0x55: {  	_ =	shalt  }
0x56: {  	_ =	shalt  }
0x57: {  	_ =	shalt  }
0x58: {  	_ =	shalt  }
0x59: {  	_ =	shalt  }
0x5a: {  	_ =	shalt  }
0x5b: {  	_ =	shalt  }
0x5c: {  	_ =	shalt  }
0x5d: {  	_ =	shalt  }
0x5e: {  	_ =	shalt  }
0x5f: {  	_ =	shalt  }
0x60: {  	_ =	shalt  }
0x61: {  	_ =	shalt  }
0x62: {  	_ =	shalt  }
0x63: {  	_ =	shalt  }
0x64: {  	_ =	shalt  }
0x65: {  	_ =	shalt  }
0x66: {  	_ =	shalt  }
0x67: {  	_ =	shalt  }
0x68: {  	_ =	shalt  }
0x69: {  	_ =	shalt  }
0x6a: {  	_ =	shalt  }
0x6b: {  	_ =	shalt  }
0x6c: {  	_ =	shalt  }
0x6d: {  	_ =	shalt  }
0x6e: {  	_ =	shalt  }
0x6f: {  	_ =	shalt  }
0x70: {  	_ =	shalt  }
0x71: {  	_ =	shalt  }
0x72: {  	_ =	shalt  }
0x73: {  	_ =	shalt  }
0x74: {  	_ =	shalt  }
0x75: {  	_ =	shalt  }
0x76: {  	_ =	shalt  }
0x77: {  	_ =	shalt  }
0x78: {  	_ =	shalt  }
0x79: {  	_ =	shalt  }
0x7a: {  	_ =	shalt  }
0x7b: {  	_ =	shalt  }
0x7c: {  	_ =	shalt  }
0x7d: {  	_ =	shalt  }
0x7e: {  	_ =	shalt  }
0x7f: {  	_ =	shalt  }
0x80: {  	_ =	shalt  }
0x81: {  	_ =	shalt  }
0x82: {  	_ =	shalt  }
0x83: {  	_ =	shalt  }
0x84: {  	_ =	shalt  }
0x85: {  	_ =	shalt  }
0x86: {  	_ =	shalt  }
0x87: {  	_ =	shalt  }
.Lfunc_end0:
.L_simem_size_0:
called_computation_lowered:
.L_overlay_start_0:
0x88: {  	s2 =	sld [smem:$0x3FD9]  }
0x89: {  	s3 =	sld [smem:$0x3FFE];
	_ =	sdelay $0x1  }
0x8a: {  	s1 =	srdreg.scid  }
0x8b: {  	s0 =	sand.u32 $0x1, s1  }
0x8c: {  	s17 =	sshll.u32 s0, $0xA;
	s2 =	sadd.s32 s3, s2  }
0x8d: {  	s2 =	sadd.s32 s2, s17  }
0x8e: {  	[smem:$0x3FC2] =	sst s2  }
0x8f: {  	_ = 	snop  }
0x90: {  	s2 =	sld [smem:$0x3FD0];
	(tm) =	ssettm $0x1  }
0x91: {  	s18 =	sld [smem:$0x3FFB];
	_ =	sdelay $0x3  }
0x92: {  	_ =	strace s18  }
0x93: {  	s3 =	sld [smem:$0x3FFC];
	_ =	sdelay $0x3  }
0x94: {  	_ =	strace s3  }
0x95: {  	s3 =	sld [smem:$0x3FFD];
	_ =	sdelay $0x3  }
0x96: {  	_ =	strace s3  }
0x97: {  	_ =	strace $0x8FFFFFFF  }
0x98: {  	s19 =	sld [smem:$0x3FDB];
	_ =	sdelay $0x1  }
0x99: {  	s4 =	simm.s32 $_scs_section_size  }
0x9a: {  	s5 =	simm.s32 $_size__tile_overlayer_lowered;
	s6 =	simm.s32 $_tile_overlayer_lowered  }
0x9b: {  	s22 =	simm.s32 $0x1BFF;
	s21 =	sshll.u32 s6, $0x1;
	s3 =	sadd.s32 s4, s19  }
0x9c: {  	s7 =	simm.s32 $0x0;
	s20 =	sshll.u32 s5, $0x1;
	s5 =	sadd.s32 s21, s3  }
0x9d: {  	[timem:s7], [sflag:s22] =	dma.local [hbm:s5], s20  }
0x9e: {  	_ =	swait.ge [sflag:s22], s20  }
0x9f: {  	s4 =	ssub.s32 $0x0, s20;
	[sflag:s22] =	ssyncset.done $0x0  }
0xa0: {  	[sflag:s22] =	ssyncadd.s32 s4;
	_ =	sdelay $0x1  }
0xa1: {  	s23 =	simm.s32 $0x1B8B  }
0xa2: {  	_ =	swait.ge [sflag:s23], $0x1  }
0xa3: {  	[sflag:s23] =	ssyncset.done $0x0  }
0xa4: {  	s25 =	simm.s32 $0x1B8E;
	s24 =	sld [smem:$0x3FFE];
	[sflag:s23] =	ssyncadd.s32 $0xFFFFFFFF  }
0xa5: {  	s26 =	simm.s32 $execute0_lowered;
	[smem:$0x3FD2] =	sst s25  }
0xa6: {  	s5 =	sshll.u32 s26, $0x1;
	_ =	strace $0x80000046;
	[dreg:$0x1] =	wrdreg $0xFFFFFFFF  }
0xa7: {  	s28 =	simm.s32 $_size_execute0_lowered;
	s3 =	sadd.s32 s3, s5;
	[dreg:$0x0] =	wrdreg $0x0  }
0xa8: {  	s5 =	sshll.u32 s28, $0x1;
	[dreg:$0x2] =	wrdreg s3  }
0xa9: {  	[dreg:$0x3] =	wrdreg s5  }
0xaa: {  	[dreg:$0x4] =	wrdreg $0xC0  }
0xab: {  	_ =	task [dreg:s7], $0x5FFFF  }
0xac: {  	[dreg:$0x1] =	wrdreg $0xFFFFFFFF  }
0xad: {  	[dreg:$0x0] =	wrdreg $0x60  }
0xae: {  	[dreg:$0x2] =	wrdreg s2  }
0xaf: {  	[dreg:$0x3] =	wrdreg s24  }
0xb0: {  	[dreg:$0x4] =	wrdreg $0x90000  }
0xb1: {  	[dreg:$0x5] =	wrdreg $0x9  }
0xb2: {  	_ =	task.clear_ibuf [dreg:s7], $0x6FFFF;
	_ =	strace $0x90000046  }
0xb3: {  	s29 =	simm.s32 $0x9;
	_ =	strace $0x80000048  }
0xb4: {  	_ =	swait.ge [sflag:s29], $0x1  }
0xb5: {  	[sflag:s29] =	ssyncadd.s32 $0xFFFFFFFF  }
0xb6: {  	_ =	strace $0x90000048  }
0xb7: {  	_ =	sfence  }
0xb8: {  	s30 =	sld [smem:$0x0];
	_ =	sdelay $0x2  }
0xb9: {  	s31 =	sshll.u32 s1, $0xD;
	s1 =	sshrl.u32 s1, $0x2  }
0xba: {  	s3 =	sand.u32 $0x4000, s31;
	s1 =	sadd.s32 s1, s30  }
0xbb: {  	s0 =	sor.u32 s3, s0;
	s1 =	sshll.u32 s1, $0x11  }
0xbc: {  	s0 =	sor.u32 s1, s0  }
0xbd: {  	s0 =	sadd.s32 $0x8F2B, s0  }
0xbe: {  	[sflag:s0] =	ssyncadd.remote.s32 $0x1  }
0xbf: {  	_ =	sfence.sel $0xFFFF  }
0xc0: {  	[dreg:$0x0] =	wrdreg $0xFFFFFFFF;
	(pc) =	sbr.abs _section_cstart, $3  }
0xc1: {  	[dreg:$0x1] =	wrdreg $0xFFFFFFFF  }
0xc2: {  	_ =	task.clear_ibuf [dreg:s7], $0x2FFFF;
	_ =	strace $0x9FFFFFFF  }
0xc3: {  	(tm) =	ssettm $0x7FFFFFFF  }
tec
execute0_lowered:
.L_overlay_start_1:
0x0: {  	(tag) =	ssettag $0x1  }
0x1: {  	s0 =	rddreg [dreg:$0x0]  }
0x2: {  	s6 =	rddreg [dreg:$0x1]  }
0x3: {  	s1 =	srdreg.scid;
	s3 =	rddreg [dreg:$0x2]  }
0x4: {  	s2 =	stileid.u32;
	s4 =	simm.s32 $0x0;
	s16 =	simm.s32 $0x5000  }
0x5: {  	s17 =	simm.s32 $0x1;
	s7 =	sand.u32 $0x1, s1;
	s1 =	rddreg [dreg:$0x3]  }
0x6: {  	s20 =	simm.s32 $0x0;
	[smem:$0x7FF] =	sst s4;
	s10 =	smul.u32 $0x50000, s2  }
0x7: {  	s12 =	smul.u32 $0x4E000, s2;
	s13 =	sadd.s32 $0x17A00, s6;
	s30 =	sshll.u32 s2, $0x6  }
0x8: {  	s14 =	smul.u32 $0x2700, s2;
	s19 =	sadd.s32 $0x138000, s3;
	p0 =	sne.s32 s2, $0xF  }
0x9: {  	s5 =	sshll.u32 s7, $0x4;
	_ =	strace $0x80000047;
	s28 =	smul.u32 $0x27100, s7  }
0xa: {  	s9 =	ssub.s32 $0x2, s7;
	s31 =	smul.u32 $0x138800, s7;
	s19 =	sshrl.u32 @!p0 s19, $0x3  }
0xb: {  	s5 =	sor.u32 s2, s5;
	s11 =	sshrl.u32 s9, $0x1;
	s29 =	sshrl.u32 s10, $0x2  }
0xc: {  	s12 =	sshrl.u32 s12, $0x2;
	s5 =	smul.u32 $0x500, s5;
	s11 =	ssub.s32 s9, s11  }
0xd: {  	s15 =	sadd.s32 s29, s3;
	s18 =	sadd.s32 s12, s3;
	s9 =	sadd.s32 s14, s28  }
0xe: {  	s10 =	sshrl.u32 s31, $0x3;
	s14 =	simm.s32 $0x2800;
	s9 =	sadd.s32 s13, s9  }
0xf: {  	s10 =	sadd.s32 s13, s10;
	s11 =	smax.u32 s11, $0x1;
	s12 =	sshrl.u32 s15, $0x3  }
0x10: {  	s13 =	simm.s32 $0x2;
	s15 =	simm.s32 $0x80;
	s18 =	sshrl.u32 s18, $0x3  }
0x11: {  	s8 =	sadd.s32 s5, s6;
	s5 =	sadd.s32 $0x15200, s6;
	s6 =	sor.u32 $0x1C02, s30  }
0x12: {  	s10 =	sadd.s32 $0x27000, s10;
	s7 =	sadd.s32 $0xB200, s8;
	s8 =	sadd.s32 $0x1200, s8  }
.LBB2_1:
0x13: {  	[spmem:s12], [sflag:s6] =	dma.local [hbm:s5], $0x2800  }
0x14: {  	_ =	swait.ge [sflag:s13], $0x2800  }
0x15: {  	[sflag:s13] =	ssyncset.done $0x0  }
0x16: {  	[sflag:s13] =	ssyncadd.s32 $0xFFFFD800  }
0x17: {  	[tilespmem:s4], [sflag:$0x2] =	stream.linear.gather [hbm4b:s7+s4], $0x2800, $0x38;
	[tilespmem:$0x1D000] =	vst v63  }
0x18: {  	_ =	swait.ge [sflag:s13], $0x2800  }
0x19: {  	[sflag:s13] =	ssyncset.done $0x0  }
0x1a: {  	[sflag:s13] =	ssyncadd.s32 $0xFFFFD800  }
0x1b: {  	[tilespmem:s14], [sflag:$0x2] =	stream.linear.gather [hbm4b:s8+s4], $0x2800, $0x38;
	[tilespmem:$0x1D000] =	vst v63  }
0x1c: {  	_ =	swait.ge [sflag:s13], $0x2800  }
0x1d: {  	[sflag:s13] =	ssyncset.done $0x0  }
0x1e: {  	[sflag:s13] =	ssyncadd.s32 $0xFFFFD800  }
0x1f: {  	s21 =	simm.s32 $0x0;
	[bflag:$0x0] =	sbarrier.arrive $0xFFFF  }
0x20: {  	[tilespmem:s16], [sflag:$0x1] =	stream.indirect.gather [hbm4b:s0+s15], $0x80, s21, s15, $0xb8;
	[tilespmem:$0x1D000] =	vst v63  }
0x21: {  	_ =	swait.ge [sflag:s17], $0x4000  }
0x22: {  	[sflag:s17] =	ssyncset.done $0x0  }
0x23: {  	s31 =	simm.s32 $0x2800;
	[sflag:s17] =	ssyncadd.s32 $0xFFFFC000  }
0x24: {  	[spmem:s3] =	stream.indirect.scatter.add.f32 [tilespmem:s16], [sflag:$0x2], $0x80, s31, s15, $0xb8;
	[tilespmem:$0x1D000] =	vst v63  }
0x25: {  	_ =	swait.ge [sflag:s13], $0x4000  }
0x26: {  	s22 =	simm.s32 $0x400;
	s21 =	simm.s32 $0x200;
	[sflag:s13] =	ssyncset.done $0x0  }
.LBB2_2:
0x27: {  	s23 =	sshra.s32 s21, $0x2  }
0x28: {  	[sflag:s13] =	ssyncadd.s32 $0xFFFFC000;
	s21 =	smov.u32 s22;
	s24 =	sadd.s32 $0x200, s22  }
0x29: {  	[tilespmem:s16], [sflag:$0x1] =	stream.indirect.gather [hbm4b:s0+s15], $0x80, s23, s15, $0xb8;
	[tilespmem:$0x1D000] =	vst v63  }
0x2a: {  	p1 =	sne.s32 s22, $0x9E00;
	_ =	swait.ge [sflag:s17], $0x4000  }
.Ltmp0:
0x2b: {  	[sflag:s17] =	ssyncset.done $0x0;
	(pc) =	sbr.rel @p1 .LBB2_2-.Ltmp0, $4  }
0x2c: {  	s22 =	sadd.s32 $0x2800, s23;
	[sflag:s17] =	ssyncadd.s32 $0xFFFFC000  }
0x2d: {  	[spmem:s3] =	stream.indirect.scatter.add.f32 [tilespmem:s16], [sflag:$0x2], $0x80, s22, s15, $0xb8;
	[tilespmem:$0x1D000] =	vst v63  }
0x2e: {  	_ =	swait.ge [sflag:s13], $0x4000  }
0x2f: {  	s22 =	smov.u32 s24;
	[sflag:s13] =	ssyncset.done $0x0  }
0x30: {  	s21 =	sshra.s32 s21, $0x2;
	[sflag:s13] =	ssyncadd.s32 $0xFFFFC000  }
0x31: {  	[tilespmem:s16], [sflag:$0x1] =	stream.indirect.gather [hbm4b:s0+s15], $0x80, s21, s15, $0xb8;
	[tilespmem:$0x1D000] =	vst v63  }
0x32: {  	_ =	swait.ge [sflag:s17], $0x4000  }
0x33: {  	[sflag:s17] =	ssyncset.done $0x0  }
0x34: {  	s21 =	sadd.s32 $0x2800, s21;
	[sflag:s17] =	ssyncadd.s32 $0xFFFFC000  }
0x35: {  	[spmem:s3] =	stream.indirect.scatter.add.f32 [tilespmem:s16], [sflag:$0x2], $0x80, s21, s15, $0xb8;
	[tilespmem:$0x1D000] =	vst v63  }
0x36: {  	_ =	swait.ge [sflag:s13], $0x4000  }
0x37: {  	[sflag:s13] =	ssyncset.done $0x0  }
0x38: {  	[sflag:s13] =	ssyncadd.s32 $0xFFFFC000  }
0x39: {  	[bflag:$0x0] =	sbarrier.arrive $0xFFFF  }
0x3a: {  	[hbm:s9], [sflag:s6] =	dma.local [spmem:s18], $0x2700  }
0x3b: {  	s20 =	sadd.s32 $0x1, s20;
	_ =	swait.ge [sflag:s13], $0x2700  }
0x3c: {  	p1 =	sne.s32 s20, s11;
	[sflag:s13] =	ssyncset.done $0x0  }
.Ltmp1:
0x3d: {  	s21 =	simm.s32 @!p0 $0x2;
	[sflag:s13] =	ssyncadd.s32 $0xFFFFD900;
	(pc) =	sbr.rel @p1 .LBB2_1-.Ltmp1, $4  }
0x3e: {  	[hbm:s10], [sflag:s6] =	dma.local @!p0 [spmem:s19], $0x100  }
0x3f: {  	_ =	swait.ge @!p0 [sflag:s21], $0x100  }
0x40: {  	[sflag:s21] =	ssyncset.done @!p0 $0x0  }
0x41: {  	[sflag:s21] =	ssyncadd.s32 @!p0 $0xFFFFFF00  }
0x42: {  	_ =	sfence.sel $0x180000  }
0x43: {  	[bflag:$0x0] =	sbarrier.arrive $0xFFFF  }
0x44: {  	p0 =	sne.s32 s2, $0x0;
	_ =	strace $0x90000047  }
0x45: {  	s0 =	sadd.s32 @!p0 $0x100000, s1;
	[bflag:$0x2] =	sbarrier.arrive $0xFFFF  }
0x46: {  	[sflag:s0] =	ssyncadd.tile.s32 @!p0 $0x1;
	_ =	shalt  }
.Lfunc_end2:
_tile_overlayer_lowered:
.L_overlay_start_2:
0x47: {  	(tag) =	ssettag $0x2  }
0x48: {  	s0 =	rddreg [dreg:$0x0];
	s2 =	stileid.u32  }
0x49: {  	s1 =	rddreg [dreg:$0x1];
	p0 =	sne.s32 s2, $0x0  }
0x4a: {  	s3 =	rddreg [dreg:$0x2];
	[bflag:$0x3] =	sbarrier.arrive $0xFFFF;
	s2 =	simm.s32 @!p0 $0x1C02  }
0x4b: {  	[timem:s3], [sflag:s2] =	dma.local @!p0 [hbm:s0], s1  }
0x4c: {  	s0 =	simm.s32 @!p0 $0x2  }
0x4d: {  	_ =	swait.ge @!p0 [sflag:s0], s1  }
0x4e: {  	s1 =	ssub.s32 @!p0 $0x0, s1;
	[sflag:s0] =	ssyncset.done @!p0 $0x0  }
0x4f: {  	[sflag:s0] =	ssyncadd.s32 @!p0 s1  }
0x50: {  	[bflag:$0x3] =	sbarrier.arrive $0xFFFF  }
0x51: {  	_ =	shalt  }

</sc_bundles>
